<compile_context>
chip_gen: v7x
topology: tpu7x:2x2x1
jax: 0.10.2.dev20260603
libtpu: 0.0.44.dev20260713+nightly
codegen_flags: <defaults>
</compile_context>

<pallas_src>
import functools

import jax
import jax.numpy as jnp
from jax import lax
from jax.experimental import pallas as pl
from jax.experimental.pallas import tpu as pltpu
from jax.experimental.pallas import tpu_sc as plsc

_VOCAB = 1024
_COMM = 64
_NUM_COMMS = 8
_BETA = 0.25

_ROWS_BLK = 4096

_NC = 2
_NS = 16
_NW = _NC * _NS
_GATHER_W = 128


_LANES = 128


def _vq_tc_body(x_ref, w_ref, b_ref, cb_ref, idx_ref, dsum_ref, cbt_ref):
    first = (pl.program_id(0) == 0) & (pl.program_id(1) == 0)

    @pl.when(first)
    def _precompute():
        cbt = jnp.transpose(cb_ref[...], (1, 0))
        cbt_ref[0:_COMM, :] = -2.0 * cbt
        cbt_ref[_COMM:_COMM + 1, :] = jnp.sum(cbt * cbt, axis=0,
                                              keepdims=True)

    x = x_ref[...]
    cbn = cbt_ref[0:_COMM, :]
    cnorm = cbt_ref[_COMM:_COMM + 1, :]
    wg = w_ref[0]
    bg = b_ref[0, 0, :]
    fg = lax.dot_general(x, wg, (((1,), (1,)), ((), ())),
                         preferred_element_type=jnp.float32)
    fg = fg + bg[None, :]
    cross = lax.dot_general(fg, cbn, (((1,), (0,)), ((), ())),
                            preferred_element_type=jnp.float32)
    scores = cnorm + cross
    lane = lax.broadcasted_iota(jnp.int32, (_ROWS_BLK, _LANES),
                                1).astype(jnp.float32)
    cur_val = scores[:, 0:_LANES]
    cur_idx = lane
    for k in range(1, _VOCAB // _LANES):
        sk = scores[:, k * _LANES:(k + 1) * _LANES]
        lt = sk < cur_val
        cur_val = jnp.where(lt, sk, cur_val)
        cur_idx = jnp.where(lt, float(k * _LANES) + lane, cur_idx)
    minval = jnp.min(cur_val, axis=1, keepdims=True)
    masked = jnp.where(cur_val == minval, cur_idx, 0.0)
    ones = jnp.ones((_LANES, 1), jnp.float32)
    idxf = lax.dot_general(masked, ones, (((1,), (0,)), ((), ())),
                           precision=lax.Precision.HIGHEST,
                           preferred_element_type=jnp.float32)
    idx = jnp.minimum(idxf[:, 0], float(_VOCAB - 1)).astype(jnp.int32)
    idx_ref[0, 0, 0, :] = idx
    fnorm = jnp.sum(fg * fg, axis=1)
    partial = jnp.sum(minval[:, 0] + fnorm)

    @pl.when(first)
    def _init():
        dsum_ref[...] = jnp.zeros_like(dsum_ref)

    dsum_ref[...] += partial.reshape(1, 1)


def _vq_argmin(xf, W3, b3, codebook):
    rows = xf.shape[0]
    grid = rows // _ROWS_BLK
    return pl.pallas_call(
        _vq_tc_body,
        grid=(grid, _NUM_COMMS),
        in_specs=[
            pl.BlockSpec((_ROWS_BLK, xf.shape[1]), lambda i, j: (i, 0)),
            pl.BlockSpec((1, _COMM, W3.shape[2]), lambda i, j: (j, 0, 0)),
            pl.BlockSpec((1, 1, _COMM), lambda i, j: (j, 0, 0)),
            pl.BlockSpec(codebook.shape, lambda i, j: (0, 0)),
        ],
        out_specs=[
            pl.BlockSpec((1, 1, 1, _ROWS_BLK), lambda i, j: (i, j, 0, 0)),
            pl.BlockSpec((1, 1), lambda i, j: (0, 0)),
        ],
        out_shape=[
            jax.ShapeDtypeStruct((grid, _NUM_COMMS, 1, _ROWS_BLK), jnp.int32),
            jax.ShapeDtypeStruct((1, 1), jnp.float32),
        ],
        scratch_shapes=[
            pltpu.VMEM((_COMM + 1, _VOCAB), jnp.float32),
        ],
    )(xf, W3, b3, codebook)


_CHUNK_ELS = _GATHER_W * _COMM


def _sc_gather_body(cb_hbm, idx_hbm, out_hbm, cb_v, idx_v, buf, sem):
    wid = lax.axis_index("s") * _NC + lax.axis_index("c")
    per_w = idx_hbm.shape[0] // _NW
    nch = idx_hbm.shape[0] // _NUM_COMMS
    rbase = wid * per_w
    pltpu.sync_copy(cb_hbm, cb_v)
    pltpu.sync_copy(idx_hbm.at[pl.ds(rbase, per_w)], idx_v)
    lane = lax.broadcasted_iota(jnp.int32, (16,), 0)

    def chunk_body(k, carry):
        @plsc.parallel_loop(0, _GATHER_W // 16 * _COMM, unroll=8)
        def inner(t):
            j = t // _COMM
            c = t % _COMM
            tok = idx_v[k, pl.ds(j * 16, 16)]
            vals = plsc.load_gather(cb_v, [tok * _COMM + c])
            plsc.store_scatter(buf, [lane + j * 16, lane * 0 + c], vals)

        gc = rbase + k
        g = gc // nch
        row0 = (gc % nch) * _GATHER_W
        pltpu.sync_copy(buf, out_hbm.at[pl.ds(row0, _GATHER_W), g])
        return carry

    lax.fori_loop(0, per_w, chunk_body, 0)


def _sc_gather(codebook, idx2):
    tokens = idx2.shape[0] * idx2.shape[1]
    per_w = idx2.shape[0] // _NW
    fn = functools.partial(
        pl.kernel,
        out_type=jax.ShapeDtypeStruct(
            (tokens // _NUM_COMMS, _NUM_COMMS, _COMM), jnp.float32),
        mesh=plsc.VectorSubcoreMesh(core_axis_name="c", subcore_axis_name="s"),
        compiler_params=pltpu.CompilerParams(use_tc_tiling_on_sc=False,
                                             needs_layout_passes=False),
        scratch_types=[
            pltpu.VMEM((_VOCAB * _COMM,), jnp.float32),
            pltpu.VMEM((per_w, _GATHER_W), jnp.int32),
            pltpu.VMEM((_GATHER_W, _COMM), jnp.float32),
            pltpu.SemaphoreType.DMA,
        ],
    )(_sc_gather_body)
    return fn(codebook.reshape(-1), idx2)


def _half(xf_half, W3, b3, codebook):
    idx4, dsum = _vq_argmin(xf_half, W3, b3, codebook)
    tokens = xf_half.shape[0] * _NUM_COMMS
    idx2 = idx4.reshape(tokens // _GATHER_W, _GATHER_W)
    return _sc_gather(codebook, idx2), dsum


def kernel(x, W, b, codebook):
    B, T, N, H = x.shape
    xf = x.reshape(B * T * N, H)
    W3 = W.reshape(_NUM_COMMS, _COMM, H)
    b3 = b.reshape(_NUM_COMMS, 1, _COMM)
    tokens = B * T * N * _NUM_COMMS
    rows = B * T * N
    q0, dsum0 = _half(xf[:rows // 2], W3, b3, codebook)
    q1, dsum1 = _half(xf[rows // 2:], W3, b3, codebook)
    qflat = jnp.concatenate([q0, q1])
    vq_loss = (1.0 + _BETA) * (dsum0[0, 0] + dsum1[0, 0]) / (tokens * _COMM)
    comm_output = qflat.reshape(B, N, _NUM_COMMS, _COMM)
    comm_log_probs = jnp.zeros((B * T, N), dtype=jnp.float32)
    return (comm_output, comm_output, comm_log_probs, vq_loss)

# --- scband reference (transcript-rebuilt; emitter-appended) ---
"""Pipeline reference for scband-discrete-comms-14388140442092 (READ-ONLY COPY).

The authoritative reference and input builder live on the scoring server;
editing this copy changes nothing except your own understanding.
"""

import jax, jax.numpy as jnp
import numpy as np

VOCAB = 1024
COMM = 64
NUM_COMMS = 8
HID = 512
BETA = 0.25


def setup_inputs(seed: int = 0) -> dict:
    key = jax.random.key(seed)
    k1, k2, k3 = jax.random.split(key, 3)
    x = jax.random.normal(k1, (1024, 1, 8, HID), dtype=jnp.float32)
    W = jax.random.normal(k2, (NUM_COMMS * COMM, HID), dtype=jnp.float32) * 0.02
    b = jnp.zeros((NUM_COMMS * COMM,), dtype=jnp.float32)
    codebook = jax.random.normal(k3, (VOCAB, COMM), dtype=jnp.float32)
    return {"x": x, "W": W, "b": b, "codebook": codebook}


def reference(x, W, b, codebook):
    # get_comms_during_rollout: x is [B, T, N, lstm_hidden]; reshape implies T == 1
    B, T, N, _ = x.shape
    comm_logits = jnp.dot(x, W.T) + b  # comm_head Linear -> [B, T, N, num_comms*comm]
    comm_logits = comm_logits.reshape(B, N, NUM_COMMS, COMM)
    flat_inputs = comm_logits.reshape(-1, COMM)  # [B*N*num_comms, COMM]
    # Quantiser (standard VQ-VAE): nearest codebook entry by L2 distance
    d = (jnp.sum(flat_inputs ** 2, axis=1, keepdims=True)
         - 2.0 * flat_inputs @ codebook.T
         + jnp.sum(codebook ** 2, axis=1)[None, :])  # [tokens, VOCAB]
    idx = jnp.argmin(d, axis=1)  # [tokens]
    quantised = jnp.take(codebook, idx, axis=0)  # gather [tokens, COMM]
    codebook_loss = jnp.mean((quantised - jax.lax.stop_gradient(flat_inputs)) ** 2)
    commitment_loss = jnp.mean((jax.lax.stop_gradient(quantised) - flat_inputs) ** 2)
    vq_loss = codebook_loss + BETA * commitment_loss
    # straight-through estimator
    quantised_flat = flat_inputs + jax.lax.stop_gradient(quantised - flat_inputs)
    comm_output = quantised_flat.reshape(B, N, NUM_COMMS, COMM)
    comm_log_probs = jnp.zeros((B * T, N), dtype=jnp.float32)
    return (comm_output, jax.lax.stop_gradient(comm_output), comm_log_probs, vq_loss)

if __name__ == "__main__":
    import jax
    _d = setup_inputs()
    print(jax.jit(kernel)(*tuple(_d.values())))

</pallas_src>

<mosaic_0001>
#map = affine_map<(d0, d1) -> (0)>
#map1 = affine_map<(d0, d1) -> (0, 0)>
#map2 = affine_map<(d0, d1) -> (0, 0, 0)>
module attributes {stable_mosaic.version = 14 : i64} {
  func.func @_sc_gather_body(%arg0: i32, %arg1: i32, %arg2: memref<65536xf32, #tpu.memory_space<hbm>>, %arg3: memref<256x128xi32, #tpu.memory_space<hbm>>, %arg4: memref<4096x8x64xf32, #tpu.memory_space<hbm>>, %arg5: memref<65536xf32, #tpu.memory_space<vmem>>, %arg6: memref<8x128xi32, #tpu.memory_space<vmem>>, %arg7: memref<128x64xf32, #tpu.memory_space<vmem>>, %arg8: memref<!tpu.dma_semaphore, #tpu.memory_space<semaphore_mem>>) attributes {dimension_semantics = [#tpu.dimension_semantics<core_parallel>, #tpu.dimension_semantics<subcore_parallel>], iteration_bounds = array<i64: 2, 16>, scalar_prefetch = 0 : i64, scratch_operands = 4 : i64, tpu.core_type = #tpu.core_type<sc_vector_subcore>, window_params = [{transform_indices = #map}, {transform_indices = #map1}, {transform_indices = #map2}]} {
    %mul3A = arith.constant 2 : i32
    %mul3A_0 = arith.muli %arg1, %mul3A : i32
    %add3A = arith.addi %mul3A_0, %arg0 : i32
    %mul3A_1 = arith.constant 8 : i32
    %mul3A_2 = arith.muli %add3A, %mul3A_1 : i32
    "tpu.region"() ({
      %run_scoped3A = tpu.sem_alloc : memref<!tpu.dma_semaphore, #tpu.memory_space<semaphore_mem>>
      tpu.enqueue_dma source(%arg2 : memref<65536xf32, #tpu.memory_space<hbm>>) target(%arg5 : memref<65536xf32, #tpu.memory_space<vmem>>) target_semaphore(%run_scoped3A : memref<!tpu.dma_semaphore, #tpu.memory_space<semaphore_mem>>)
      tpu.wait_dma2 semaphore(%run_scoped3A : memref<!tpu.dma_semaphore, #tpu.memory_space<semaphore_mem>>) src(%arg2 : memref<65536xf32, #tpu.memory_space<hbm>>) dst(%arg5 : memref<65536xf32, #tpu.memory_space<vmem>>)
      tpu.yield
    }) : () -> ()
    "tpu.region"() ({
      %run_scoped3A = tpu.sem_alloc : memref<!tpu.dma_semaphore, #tpu.memory_space<semaphore_mem>>
      %dma_start3A = arith.constant 0 : i32
      %dma_start3A_8 = tpu.memref_slice %arg3[%mul3A_2, %dma_start3A] : memref<256x128xi32, #tpu.memory_space<hbm>> -> memref<8x128xi32, #tpu.memory_space<hbm>>
      %dma_start3A_9 = arith.constant 0 : i32
      %dma_start3A_10 = tpu.memref_slice %arg3[%mul3A_2, %dma_start3A_9] : memref<256x128xi32, #tpu.memory_space<hbm>> -> memref<8x128xi32, #tpu.memory_space<hbm>>
      tpu.enqueue_dma source(%dma_start3A_10 : memref<8x128xi32, #tpu.memory_space<hbm>>) target(%arg6 : memref<8x128xi32, #tpu.memory_space<vmem>>) target_semaphore(%run_scoped3A : memref<!tpu.dma_semaphore, #tpu.memory_space<semaphore_mem>>)
      %dma_wait3A = arith.constant 0 : i32
      %dma_wait3A_11 = tpu.memref_slice %arg3[%mul3A_2, %dma_wait3A] : memref<256x128xi32, #tpu.memory_space<hbm>> -> memref<8x128xi32, #tpu.memory_space<hbm>>
      %dma_wait3A_12 = arith.constant 0 : i32
      %dma_wait3A_13 = tpu.memref_slice %arg3[%mul3A_2, %dma_wait3A_12] : memref<256x128xi32, #tpu.memory_space<hbm>> -> memref<8x128xi32, #tpu.memory_space<hbm>>
      tpu.wait_dma2 semaphore(%run_scoped3A : memref<!tpu.dma_semaphore, #tpu.memory_space<semaphore_mem>>) src(%dma_wait3A_13 : memref<8x128xi32, #tpu.memory_space<hbm>>) dst(%arg6 : memref<8x128xi32, #tpu.memory_space<vmem>>)
      tpu.yield
    }) : () -> ()
    %iota3A = tpu.iota {dimensions = array<i32: 0>} : vector<16xi32>
    %scan3A = arith.constant 0 : i32
    %scan3A_3 = arith.constant 0 : i32
    %scan3A_4 = arith.constant 8 : i32
    %scan3A_5 = arith.addi %scan3A_3, %scan3A_4 : i32
    %scan3A_6 = arith.constant 1 : i32
    scf.for %scan3A_8 = %scan3A_3 to %scan3A_5 step %scan3A_6  : i32 {
      %parallel_loop3A = arith.constant 0 : i32
      %parallel_loop3A_9 = arith.constant 512 : i32
      %parallel_loop3A_10 = arith.constant 1 : i32
      scf.for %parallel_loop3A_44 = %parallel_loop3A to %parallel_loop3A_9 step %parallel_loop3A_10  : i32 {
        %parallel_loop3A_45 = arith.constant 64 : i32
        %parallel_loop3A_46 = arith.divsi %parallel_loop3A_44, %parallel_loop3A_45 : i32
        %parallel_loop3A_47 = arith.constant 0 : i32
        %parallel_loop3A_48 = arith.cmpi sgt, %parallel_loop3A_44, %parallel_loop3A_47 : i32
        %parallel_loop3A_49 = arith.extui %parallel_loop3A_48 : i1 to i32
        %parallel_loop3A_50 = arith.constant 0 : i32
        %parallel_loop3A_51 = arith.cmpi slt, %parallel_loop3A_44, %parallel_loop3A_50 : i32
        %parallel_loop3A_52 = arith.extui %parallel_loop3A_51 : i1 to i32
        %parallel_loop3A_53 = arith.subi %parallel_loop3A_49, %parallel_loop3A_52 : i32
        %parallel_loop3A_54 = arith.constant 0 : i32
        %parallel_loop3A_55 = arith.cmpi sgt, %parallel_loop3A_45, %parallel_loop3A_54 : i32
        %parallel_loop3A_56 = arith.extui %parallel_loop3A_55 : i1 to i32
        %parallel_loop3A_57 = arith.constant 0 : i32
        %parallel_loop3A_58 = arith.cmpi slt, %parallel_loop3A_45, %parallel_loop3A_57 : i32
        %parallel_loop3A_59 = arith.extui %parallel_loop3A_58 : i1 to i32
        %parallel_loop3A_60 = arith.subi %parallel_loop3A_56, %parallel_loop3A_59 : i32
        %parallel_loop3A_61 = arith.cmpi ne, %parallel_loop3A_53, %parallel_loop3A_60 : i32
        %parallel_loop3A_62 = arith.remsi %parallel_loop3A_44, %parallel_loop3A_45 : i32
        %parallel_loop3A_63 = arith.constant 0 : i32
        %parallel_loop3A_64 = arith.cmpi ne, %parallel_loop3A_62, %parallel_loop3A_63 : i32
        %parallel_loop3A_65 = arith.andi %parallel_loop3A_61, %parallel_loop3A_64 : i1
        %parallel_loop3A_66 = arith.constant 1 : i32
        %parallel_loop3A_67 = arith.subi %parallel_loop3A_46, %parallel_loop3A_66 : i32
        %parallel_loop3A_68 = arith.select %parallel_loop3A_65, %parallel_loop3A_67, %parallel_loop3A_46 : i32
        %parallel_loop3A_69 = arith.constant 64 : i32
        %parallel_loop3A_70 = arith.constant 0 : i32
        %parallel_loop3A_71 = arith.cmpi eq, %parallel_loop3A_69, %parallel_loop3A_70 : i32
        %parallel_loop3A_72 = arith.constant 1 : i32
        %parallel_loop3A_73 = arith.select %parallel_loop3A_71, %parallel_loop3A_72, %parallel_loop3A_69 : i32
        %parallel_loop3A_74 = arith.remsi %parallel_loop3A_44, %parallel_loop3A_73 : i32
        %parallel_loop3A_75 = arith.constant 0 : i32
        %parallel_loop3A_76 = arith.cmpi ne, %parallel_loop3A_74, %parallel_loop3A_75 : i32
        %parallel_loop3A_77 = arith.constant 0 : i32
        %parallel_loop3A_78 = arith.cmpi slt, %parallel_loop3A_74, %parallel_loop3A_77 : i32
        %parallel_loop3A_79 = arith.constant 0 : i32
        %parallel_loop3A_80 = arith.cmpi slt, %parallel_loop3A_73, %parallel_loop3A_79 : i32
        %parallel_loop3A_81 = arith.xori %parallel_loop3A_78, %parallel_loop3A_80 : i1
        %parallel_loop3A_82 = arith.andi %parallel_loop3A_81, %parallel_loop3A_76 : i1
        %parallel_loop3A_83 = arith.addi %parallel_loop3A_74, %parallel_loop3A_73 : i32
        %parallel_loop3A_84 = arith.select %parallel_loop3A_82, %parallel_loop3A_83, %parallel_loop3A_74 : i32
        %parallel_loop3A_85 = arith.constant 16 : i32
        %parallel_loop3A_86 = arith.muli %parallel_loop3A_68, %parallel_loop3A_85 : i32
        %parallel_loop3A_87 = arith.index_cast %scan3A_8 : i32 to index
        %parallel_loop3A_88 = arith.index_cast %parallel_loop3A_86 : i32 to index
        %parallel_loop3A_89 = tpu.vector_load %arg6[%parallel_loop3A_87, %parallel_loop3A_88] {strides = array<i32>} : memref<8x128xi32, #tpu.memory_space<vmem>>, vector<16xi32>,
        %parallel_loop3A_90 = arith.constant 64 : i32
        %parallel_loop3A_91 = vector.broadcast %parallel_loop3A_90 : i32 to vector<16xi32>
        %parallel_loop3A_92 = arith.muli %parallel_loop3A_89, %parallel_loop3A_91 : vector<16xi32>
        %parallel_loop3A_93 = vector.broadcast %parallel_loop3A_84 : i32 to vector<16xi32>
        %parallel_loop3A_94 = arith.addi %parallel_loop3A_92, %parallel_loop3A_93 : vector<16xi32>
        %parallel_loop3A_95 = tpu.vector_load_idx %arg5[%parallel_loop3A_94] : memref<65536xf32, #tpu.memory_space<vmem>>[vector<16xi32>], vector<16xf32>,
        %parallel_loop3A_96 = arith.constant 16 : i32
        %parallel_loop3A_97 = arith.muli %parallel_loop3A_68, %parallel_loop3A_96 : i32
        %parallel_loop3A_98 = vector.broadcast %parallel_loop3A_97 : i32 to vector<16xi32>
        %parallel_loop3A_99 = arith.addi %iota3A, %parallel_loop3A_98 : vector<16xi32>
        %parallel_loop3A_100 = arith.constant 0 : i32
        %parallel_loop3A_101 = vector.broadcast %parallel_loop3A_100 : i32 to vector<16xi32>
        %parallel_loop3A_102 = arith.muli %iota3A, %parallel_loop3A_101 : vector<16xi32>
        %parallel_loop3A_103 = vector.broadcast %parallel_loop3A_84 : i32 to vector<16xi32>
        %parallel_loop3A_104 = arith.addi %parallel_loop3A_102, %parallel_loop3A_103 : vector<16xi32>
        tpu.vector_store_idx %arg7[%parallel_loop3A_99, %parallel_loop3A_104], %parallel_loop3A_95 : memref<128x64xf32, #tpu.memory_space<vmem>>[vector<16xi32>, vector<16xi32>], vector<16xf32>,
      } {sc.loop_unroll_factor = 8 : i64, sc.parallel_access}
      %add3A_11 = arith.addi %mul3A_2, %scan3A_8 : i32
      %jit3A = arith.constant 32 : i32
      %div3A = arith.divsi %add3A_11, %jit3A : i32
      %sign3A = arith.constant 0 : i32
      %sign3A_12 = arith.cmpi sgt, %add3A_11, %sign3A : i32
      %sign3A_13 = arith.extui %sign3A_12 : i1 to i32
      %sign3A_14 = arith.constant 0 : i32
      %sign3A_15 = arith.cmpi slt, %add3A_11, %sign3A_14 : i32
      %sign3A_16 = arith.extui %sign3A_15 : i1 to i32
      %sign3A_17 = arith.subi %sign3A_13, %sign3A_16 : i32
      %sign3A_18 = arith.constant 0 : i32
      %sign3A_19 = arith.cmpi sgt, %jit3A, %sign3A_18 : i32
      %sign3A_20 = arith.extui %sign3A_19 : i1 to i32
      %sign3A_21 = arith.constant 0 : i32
      %sign3A_22 = arith.cmpi slt, %jit3A, %sign3A_21 : i32
      %sign3A_23 = arith.extui %sign3A_22 : i1 to i32
      %sign3A_24 = arith.subi %sign3A_20, %sign3A_23 : i32
      %ne3A = arith.cmpi ne, %sign3A_17, %sign3A_24 : i32
      %rem3A = arith.remsi %add3A_11, %jit3A : i32
      %ne3A_25 = arith.constant 0 : i32
      %ne3A_26 = arith.cmpi ne, %rem3A, %ne3A_25 : i32
      %and3A = arith.andi %ne3A, %ne3A_26 : i1
      %sub3A = arith.constant 1 : i32
      %sub3A_27 = arith.subi %div3A, %sub3A : i32
      %select_n3A = arith.select %and3A, %sub3A_27, %div3A : i32
      %jit3A_28 = arith.constant 32 : i32
      %eq3A = arith.constant 0 : i32
      %eq3A_29 = arith.cmpi eq, %jit3A_28, %eq3A : i32
      %jit3A_30 = arith.constant 1 : i32
      %select_n3A_31 = arith.select %eq3A_29, %jit3A_30, %jit3A_28 : i32
      %rem3A_32 = arith.remsi %add3A_11, %select_n3A_31 : i32
      %ne3A_33 = arith.constant 0 : i32
      %ne3A_34 = arith.cmpi ne, %rem3A_32, %ne3A_33 : i32
      %lt3A = arith.constant 0 : i32
      %lt3A_35 = arith.cmpi slt, %rem3A_32, %lt3A : i32
      %lt3A_36 = arith.constant 0 : i32
      %lt3A_37 = arith.cmpi slt, %select_n3A_31, %lt3A_36 : i32
      %ne3A_38 = arith.xori %lt3A_35, %lt3A_37 : i1
      %and3A_39 = arith.andi %ne3A_38, %ne3A_34 : i1
      %add3A_40 = arith.addi %rem3A_32, %select_n3A_31 : i32
      %select_n3A_41 = arith.select %and3A_39, %add3A_40, %rem3A_32 : i32
      %mul3A_42 = arith.constant 128 : i32
      %mul3A_43 = arith.muli %select_n3A_41, %mul3A_42 : i32
      "tpu.region"() ({
        %run_scoped3A = tpu.sem_alloc : memref<!tpu.dma_semaphore, #tpu.memory_space<semaphore_mem>>
        %dma_start3A = arith.constant 0 : i32
        %dma_start3A_44 = tpu.memref_slice %arg4[%mul3A_43, %select_n3A, %dma_start3A] : memref<4096x8x64xf32, #tpu.memory_space<hbm>> -> memref<128x1x64xf32, #tpu.memory_space<hbm>>
        %dma_start3A_45 = tpu.memref_squeeze %dma_start3A_44 : memref<128x1x64xf32, #tpu.memory_space<hbm>> -> memref<128x64xf32, #tpu.memory_space<hbm>>
        %dma_start3A_46 = arith.constant 0 : i32
        %dma_start3A_47 = tpu.memref_slice %arg4[%mul3A_43, %select_n3A, %dma_start3A_46] : memref<4096x8x64xf32, #tpu.memory_space<hbm>> -> memref<128x1x64xf32, #tpu.memory_space<hbm>>
        %dma_start3A_48 = tpu.memref_squeeze %dma_start3A_47 : memref<128x1x64xf32, #tpu.memory_space<hbm>> -> memref<128x64xf32, #tpu.memory_space<hbm>>
        tpu.enqueue_dma source(%arg7 : memref<128x64xf32, #tpu.memory_space<vmem>>) target(%dma_start3A_48 : memref<128x64xf32, #tpu.memory_space<hbm>>) target_semaphore(%run_scoped3A : memref<!tpu.dma_semaphore, #tpu.memory_space<semaphore_mem>>)
        %dma_wait3A = arith.constant 0 : i32
        %dma_wait3A_49 = tpu.memref_slice %arg4[%mul3A_43, %select_n3A, %dma_wait3A] : memref<4096x8x64xf32, #tpu.memory_space<hbm>> -> memref<128x1x64xf32, #tpu.memory_space<hbm>>
        %dma_wait3A_50 = tpu.memref_squeeze %dma_wait3A_49 : memref<128x1x64xf32, #tpu.memory_space<hbm>> -> memref<128x64xf32, #tpu.memory_space<hbm>>
        %dma_wait3A_51 = arith.constant 0 : i32
        %dma_wait3A_52 = tpu.memref_slice %arg4[%mul3A_43, %select_n3A, %dma_wait3A_51] : memref<4096x8x64xf32, #tpu.memory_space<hbm>> -> memref<128x1x64xf32, #tpu.memory_space<hbm>>
        %dma_wait3A_53 = tpu.memref_squeeze %dma_wait3A_52 : memref<128x1x64xf32, #tpu.memory_space<hbm>> -> memref<128x64xf32, #tpu.memory_space<hbm>>
        tpu.wait_dma2 semaphore(%run_scoped3A : memref<!tpu.dma_semaphore, #tpu.memory_space<semaphore_mem>>) src(%arg7 : memref<128x64xf32, #tpu.memory_space<vmem>>) dst(%dma_wait3A_53 : memref<128x64xf32, #tpu.memory_space<hbm>>)
        tpu.yield
      }) : () -> ()
    }
    %scan3A_7 = arith.constant 8 : i32
    return
  }
}

#map = affine_map<(d0, d1) -> (0)>
#map1 = affine_map<(d0, d1) -> (0, 0)>
#map2 = affine_map<(d0, d1) -> (0, 0, 0)>
module attributes {stable_mosaic.version = 14 : i64} {
  func.func @_sc_gather_body(%arg0: i32, %arg1: i32, %arg2: memref<65536xf32, #tpu.memory_space<hbm>>, %arg3: memref<256x128xi32, #tpu.memory_space<hbm>>, %arg4: memref<4096x8x64xf32, #tpu.memory_space<hbm>>, %arg5: memref<65536xf32, #tpu.memory_space<vmem>>, %arg6: memref<8x128xi32, #tpu.memory_space<vmem>>, %arg7: memref<128x64xf32, #tpu.memory_space<vmem>>, %arg8: memref<!tpu.dma_semaphore, #tpu.memory_space<semaphore_mem>>) attributes {dimension_semantics = [#tpu.dimension_semantics<core_parallel>, #tpu.dimension_semantics<subcore_parallel>], iteration_bounds = array<i64: 2, 16>, scalar_prefetch = 0 : i64, scratch_operands = 4 : i64, tpu.core_type = #tpu.core_type<sc_vector_subcore>, window_params = [{transform_indices = #map}, {transform_indices = #map1}, {transform_indices = #map2}]} {
    %mul3A = arith.constant 2 : i32
    %mul3A_0 = arith.muli %arg1, %mul3A : i32
    %add3A = arith.addi %mul3A_0, %arg0 : i32
    %mul3A_1 = arith.constant 8 : i32
    %mul3A_2 = arith.muli %add3A, %mul3A_1 : i32
    "tpu.region"() ({
      %run_scoped3A = tpu.sem_alloc : memref<!tpu.dma_semaphore, #tpu.memory_space<semaphore_mem>>
      tpu.enqueue_dma source(%arg2 : memref<65536xf32, #tpu.memory_space<hbm>>) target(%arg5 : memref<65536xf32, #tpu.memory_space<vmem>>) target_semaphore(%run_scoped3A : memref<!tpu.dma_semaphore, #tpu.memory_space<semaphore_mem>>)
      tpu.wait_dma2 semaphore(%run_scoped3A : memref<!tpu.dma_semaphore, #tpu.memory_space<semaphore_mem>>) src(%arg2 : memref<65536xf32, #tpu.memory_space<hbm>>) dst(%arg5 : memref<65536xf32, #tpu.memory_space<vmem>>)
      tpu.yield
    }) : () -> ()
    "tpu.region"() ({
      %run_scoped3A = tpu.sem_alloc : memref<!tpu.dma_semaphore, #tpu.memory_space<semaphore_mem>>
      %dma_start3A = arith.constant 0 : i32
      %dma_start3A_8 = tpu.memref_slice %arg3[%mul3A_2, %dma_start3A] : memref<256x128xi32, #tpu.memory_space<hbm>> -> memref<8x128xi32, #tpu.memory_space<hbm>>
      %dma_start3A_9 = arith.constant 0 : i32
      %dma_start3A_10 = tpu.memref_slice %arg3[%mul3A_2, %dma_start3A_9] : memref<256x128xi32, #tpu.memory_space<hbm>> -> memref<8x128xi32, #tpu.memory_space<hbm>>
      tpu.enqueue_dma source(%dma_start3A_10 : memref<8x128xi32, #tpu.memory_space<hbm>>) target(%arg6 : memref<8x128xi32, #tpu.memory_space<vmem>>) target_semaphore(%run_scoped3A : memref<!tpu.dma_semaphore, #tpu.memory_space<semaphore_mem>>)
      %dma_wait3A = arith.constant 0 : i32
      %dma_wait3A_11 = tpu.memref_slice %arg3[%mul3A_2, %dma_wait3A] : memref<256x128xi32, #tpu.memory_space<hbm>> -> memref<8x128xi32, #tpu.memory_space<hbm>>
      %dma_wait3A_12 = arith.constant 0 : i32
      %dma_wait3A_13 = tpu.memref_slice %arg3[%mul3A_2, %dma_wait3A_12] : memref<256x128xi32, #tpu.memory_space<hbm>> -> memref<8x128xi32, #tpu.memory_space<hbm>>
      tpu.wait_dma2 semaphore(%run_scoped3A : memref<!tpu.dma_semaphore, #tpu.memory_space<semaphore_mem>>) src(%dma_wait3A_13 : memref<8x128xi32, #tpu.memory_space<hbm>>) dst(%arg6 : memref<8x128xi32, #tpu.memory_space<vmem>>)
      tpu.yield
    }) : () -> ()
    %iota3A = tpu.iota {dimensions = array<i32: 0>} : vector<16xi32>
    %scan3A = arith.constant 0 : i32
    %scan3A_3 = arith.constant 0 : i32
    %scan3A_4 = arith.constant 8 : i32
    %scan3A_5 = arith.addi %scan3A_3, %scan3A_4 : i32
    %scan3A_6 = arith.constant 1 : i32
    scf.for %scan3A_8 = %scan3A_3 to %scan3A_5 step %scan3A_6  : i32 {
      %parallel_loop3A = arith.constant 0 : i32
      %parallel_loop3A_9 = arith.constant 512 : i32
      %parallel_loop3A_10 = arith.constant 1 : i32
      scf.for %parallel_loop3A_44 = %parallel_loop3A to %parallel_loop3A_9 step %parallel_loop3A_10  : i32 {
        %parallel_loop3A_45 = arith.constant 64 : i32
        %parallel_loop3A_46 = arith.divsi %parallel_loop3A_44, %parallel_loop3A_45 : i32
        %parallel_loop3A_47 = arith.constant 0 : i32
        %parallel_loop3A_48 = arith.cmpi sgt, %parallel_loop3A_44, %parallel_loop3A_47 : i32
        %parallel_loop3A_49 = arith.extui %parallel_loop3A_48 : i1 to i32
        %parallel_loop3A_50 = arith.constant 0 : i32
        %parallel_loop3A_51 = arith.cmpi slt, %parallel_loop3A_44, %parallel_loop3A_50 : i32
        %parallel_loop3A_52 = arith.extui %parallel_loop3A_51 : i1 to i32
        %parallel_loop3A_53 = arith.subi %parallel_loop3A_49, %parallel_loop3A_52 : i32
        %parallel_loop3A_54 = arith.constant 0 : i32
        %parallel_loop3A_55 = arith.cmpi sgt, %parallel_loop3A_45, %parallel_loop3A_54 : i32
        %parallel_loop3A_56 = arith.extui %parallel_loop3A_55 : i1 to i32
        %parallel_loop3A_57 = arith.constant 0 : i32
        %parallel_loop3A_58 = arith.cmpi slt, %parallel_loop3A_45, %parallel_loop3A_57 : i32
        %parallel_loop3A_59 = arith.extui %parallel_loop3A_58 : i1 to i32
        %parallel_loop3A_60 = arith.subi %parallel_loop3A_56, %parallel_loop3A_59 : i32
        %parallel_loop3A_61 = arith.cmpi ne, %parallel_loop3A_53, %parallel_loop3A_60 : i32
        %parallel_loop3A_62 = arith.remsi %parallel_loop3A_44, %parallel_loop3A_45 : i32
        %parallel_loop3A_63 = arith.constant 0 : i32
        %parallel_loop3A_64 = arith.cmpi ne, %parallel_loop3A_62, %parallel_loop3A_63 : i32
        %parallel_loop3A_65 = arith.andi %parallel_loop3A_61, %parallel_loop3A_64 : i1
        %parallel_loop3A_66 = arith.constant 1 : i32
        %parallel_loop3A_67 = arith.subi %parallel_loop3A_46, %parallel_loop3A_66 : i32
        %parallel_loop3A_68 = arith.select %parallel_loop3A_65, %parallel_loop3A_67, %parallel_loop3A_46 : i32
        %parallel_loop3A_69 = arith.constant 64 : i32
        %parallel_loop3A_70 = arith.constant 0 : i32
        %parallel_loop3A_71 = arith.cmpi eq, %parallel_loop3A_69, %parallel_loop3A_70 : i32
        %parallel_loop3A_72 = arith.constant 1 : i32
        %parallel_loop3A_73 = arith.select %parallel_loop3A_71, %parallel_loop3A_72, %parallel_loop3A_69 : i32
        %parallel_loop3A_74 = arith.remsi %parallel_loop3A_44, %parallel_loop3A_73 : i32
        %parallel_loop3A_75 = arith.constant 0 : i32
        %parallel_loop3A_76 = arith.cmpi ne, %parallel_loop3A_74, %parallel_loop3A_75 : i32
        %parallel_loop3A_77 = arith.constant 0 : i32
        %parallel_loop3A_78 = arith.cmpi slt, %parallel_loop3A_74, %parallel_loop3A_77 : i32
        %parallel_loop3A_79 = arith.constant 0 : i32
        %parallel_loop3A_80 = arith.cmpi slt, %parallel_loop3A_73, %parallel_loop3A_79 : i32
        %parallel_loop3A_81 = arith.xori %parallel_loop3A_78, %parallel_loop3A_80 : i1
        %parallel_loop3A_82 = arith.andi %parallel_loop3A_81, %parallel_loop3A_76 : i1
        %parallel_loop3A_83 = arith.addi %parallel_loop3A_74, %parallel_loop3A_73 : i32
        %parallel_loop3A_84 = arith.select %parallel_loop3A_82, %parallel_loop3A_83, %parallel_loop3A_74 : i32
        %parallel_loop3A_85 = arith.constant 16 : i32
        %parallel_loop3A_86 = arith.muli %parallel_loop3A_68, %parallel_loop3A_85 : i32
        %parallel_loop3A_87 = arith.index_cast %scan3A_8 : i32 to index
        %parallel_loop3A_88 = arith.index_cast %parallel_loop3A_86 : i32 to index
        %parallel_loop3A_89 = tpu.vector_load %arg6[%parallel_loop3A_87, %parallel_loop3A_88] {strides = array<i32>} : memref<8x128xi32, #tpu.memory_space<vmem>>, vector<16xi32>,
        %parallel_loop3A_90 = arith.constant 64 : i32
        %parallel_loop3A_91 = vector.broadcast %parallel_loop3A_90 : i32 to vector<16xi32>
        %parallel_loop3A_92 = arith.muli %parallel_loop3A_89, %parallel_loop3A_91 : vector<16xi32>
        %parallel_loop3A_93 = vector.broadcast %parallel_loop3A_84 : i32 to vector<16xi32>
        %parallel_loop3A_94 = arith.addi %parallel_loop3A_92, %parallel_loop3A_93 : vector<16xi32>
        %parallel_loop3A_95 = tpu.vector_load_idx %arg5[%parallel_loop3A_94] : memref<65536xf32, #tpu.memory_space<vmem>>[vector<16xi32>], vector<16xf32>,
        %parallel_loop3A_96 = arith.constant 16 : i32
        %parallel_loop3A_97 = arith.muli %parallel_loop3A_68, %parallel_loop3A_96 : i32
        %parallel_loop3A_98 = vector.broadcast %parallel_loop3A_97 : i32 to vector<16xi32>
        %parallel_loop3A_99 = arith.addi %iota3A, %parallel_loop3A_98 : vector<16xi32>
        %parallel_loop3A_100 = arith.constant 0 : i32
        %parallel_loop3A_101 = vector.broadcast %parallel_loop3A_100 : i32 to vector<16xi32>
        %parallel_loop3A_102 = arith.muli %iota3A, %parallel_loop3A_101 : vector<16xi32>
        %parallel_loop3A_103 = vector.broadcast %parallel_loop3A_84 : i32 to vector<16xi32>
        %parallel_loop3A_104 = arith.addi %parallel_loop3A_102, %parallel_loop3A_103 : vector<16xi32>
        tpu.vector_store_idx %arg7[%parallel_loop3A_99, %parallel_loop3A_104], %parallel_loop3A_95 : memref<128x64xf32, #tpu.memory_space<vmem>>[vector<16xi32>, vector<16xi32>], vector<16xf32>,
      } {sc.loop_unroll_factor = 8 : i64, sc.parallel_access}
      %add3A_11 = arith.addi %mul3A_2, %scan3A_8 : i32
      %jit3A = arith.constant 32 : i32
      %div3A = arith.divsi %add3A_11, %jit3A : i32
      %sign3A = arith.constant 0 : i32
      %sign3A_12 = arith.cmpi sgt, %add3A_11, %sign3A : i32
      %sign3A_13 = arith.extui %sign3A_12 : i1 to i32
      %sign3A_14 = arith.constant 0 : i32
      %sign3A_15 = arith.cmpi slt, %add3A_11, %sign3A_14 : i32
      %sign3A_16 = arith.extui %sign3A_15 : i1 to i32
      %sign3A_17 = arith.subi %sign3A_13, %sign3A_16 : i32
      %sign3A_18 = arith.constant 0 : i32
      %sign3A_19 = arith.cmpi sgt, %jit3A, %sign3A_18 : i32
      %sign3A_20 = arith.extui %sign3A_19 : i1 to i32
      %sign3A_21 = arith.constant 0 : i32
      %sign3A_22 = arith.cmpi slt, %jit3A, %sign3A_21 : i32
      %sign3A_23 = arith.extui %sign3A_22 : i1 to i32
      %sign3A_24 = arith.subi %sign3A_20, %sign3A_23 : i32
      %ne3A = arith.cmpi ne, %sign3A_17, %sign3A_24 : i32
      %rem3A = arith.remsi %add3A_11, %jit3A : i32
      %ne3A_25 = arith.constant 0 : i32
      %ne3A_26 = arith.cmpi ne, %rem3A, %ne3A_25 : i32
      %and3A = arith.andi %ne3A, %ne3A_26 : i1
      %sub3A = arith.constant 1 : i32
      %sub3A_27 = arith.subi %div3A, %sub3A : i32
      %select_n3A = arith.select %and3A, %sub3A_27, %div3A : i32
      %jit3A_28 = arith.constant 32 : i32
      %eq3A = arith.constant 0 : i32
      %eq3A_29 = arith.cmpi eq, %jit3A_28, %eq3A : i32
      %jit3A_30 = arith.constant 1 : i32
      %select_n3A_31 = arith.select %eq3A_29, %jit3A_30, %jit3A_28 : i32
      %rem3A_32 = arith.remsi %add3A_11, %select_n3A_31 : i32
      %ne3A_33 = arith.constant 0 : i32
      %ne3A_34 = arith.cmpi ne, %rem3A_32, %ne3A_33 : i32
      %lt3A = arith.constant 0 : i32
      %lt3A_35 = arith.cmpi slt, %rem3A_32, %lt3A : i32
      %lt3A_36 = arith.constant 0 : i32
      %lt3A_37 = arith.cmpi slt, %select_n3A_31, %lt3A_36 : i32
      %ne3A_38 = arith.xori %lt3A_35, %lt3A_37 : i1
      %and3A_39 = arith.andi %ne3A_38, %ne3A_34 : i1
      %add3A_40 = arith.addi %rem3A_32, %select_n3A_31 : i32
      %select_n3A_41 = arith.select %and3A_39, %add3A_40, %rem3A_32 : i32
      %mul3A_42 = arith.constant 128 : i32
      %mul3A_43 = arith.muli %select_n3A_41, %mul3A_42 : i32
      "tpu.region"() ({
        %run_scoped3A = tpu.sem_alloc : memref<!tpu.dma_semaphore, #tpu.memory_space<semaphore_mem>>
        %dma_start3A = arith.constant 0 : i32
        %dma_start3A_44 = tpu.memref_slice %arg4[%mul3A_43, %select_n3A, %dma_start3A] : memref<4096x8x64xf32, #tpu.memory_space<hbm>> -> memref<128x1x64xf32, #tpu.memory_space<hbm>>
        %dma_start3A_45 = tpu.memref_squeeze %dma_start3A_44 : memref<128x1x64xf32, #tpu.memory_space<hbm>> -> memref<128x64xf32, #tpu.memory_space<hbm>>
        %dma_start3A_46 = arith.constant 0 : i32
        %dma_start3A_47 = tpu.memref_slice %arg4[%mul3A_43, %select_n3A, %dma_start3A_46] : memref<4096x8x64xf32, #tpu.memory_space<hbm>> -> memref<128x1x64xf32, #tpu.memory_space<hbm>>
        %dma_start3A_48 = tpu.memref_squeeze %dma_start3A_47 : memref<128x1x64xf32, #tpu.memory_space<hbm>> -> memref<128x64xf32, #tpu.memory_space<hbm>>
        tpu.enqueue_dma source(%arg7 : memref<128x64xf32, #tpu.memory_space<vmem>>) target(%dma_start3A_48 : memref<128x64xf32, #tpu.memory_space<hbm>>) target_semaphore(%run_scoped3A : memref<!tpu.dma_semaphore, #tpu.memory_space<semaphore_mem>>)
        %dma_wait3A = arith.constant 0 : i32
        %dma_wait3A_49 = tpu.memref_slice %arg4[%mul3A_43, %select_n3A, %dma_wait3A] : memref<4096x8x64xf32, #tpu.memory_space<hbm>> -> memref<128x1x64xf32, #tpu.memory_space<hbm>>
        %dma_wait3A_50 = tpu.memref_squeeze %dma_wait3A_49 : memref<128x1x64xf32, #tpu.memory_space<hbm>> -> memref<128x64xf32, #tpu.memory_space<hbm>>
        %dma_wait3A_51 = arith.constant 0 : i32
        %dma_wait3A_52 = tpu.memref_slice %arg4[%mul3A_43, %select_n3A, %dma_wait3A_51] : memref<4096x8x64xf32, #tpu.memory_space<hbm>> -> memref<128x1x64xf32, #tpu.memory_space<hbm>>
        %dma_wait3A_53 = tpu.memref_squeeze %dma_wait3A_52 : memref<128x1x64xf32, #tpu.memory_space<hbm>> -> memref<128x64xf32, #tpu.memory_space<hbm>>
        tpu.wait_dma2 semaphore(%run_scoped3A : memref<!tpu.dma_semaphore, #tpu.memory_space<semaphore_mem>>) src(%arg7 : memref<128x64xf32, #tpu.memory_space<vmem>>) dst(%dma_wait3A_53 : memref<128x64xf32, #tpu.memory_space<hbm>>)
        tpu.yield
      }) : () -> ()
    }
    %scan3A_7 = arith.constant 8 : i32
    return
  }
}

module attributes {stable_mosaic.version = 14 : i64} {
  func.func @_vq_tc_body(%arg0: i32, %arg1: i32, %arg2: memref<4096x512xf32, #tpu.memory_space<vmem>>, %arg3: memref<1x64x512xf32, #tpu.memory_space<vmem>>, %arg4: memref<1x1x64xf32, #tpu.memory_space<vmem>>, %arg5: memref<1024x64xf32, #tpu.memory_space<vmem>>, %arg6: memref<1x1x1x4096xi32, #tpu.memory_space<vmem>>, %arg7: memref<1x1xf32, #tpu.memory_space<vmem>>, %arg8: memref<65x1024xf32, #tpu.memory_space<vmem>>) attributes {dimension_semantics = [#tpu.dimension_semantics<arbitrary>, #tpu.dimension_semantics<arbitrary>], iteration_bounds = array<i64: 1, 8>, scalar_prefetch = 0 : i64, scratch_operands = 1 : i64, tpu.core_type = #tpu.core_type<tc>, window_params = [{transform_indices = @transform_0, window_bounds = array<i64: 4096, 512>}, {transform_indices = @transform_1, window_bounds = array<i64: 1, 64, 512>}, {transform_indices = @transform_2, window_bounds = array<i64: 1, 1, 64>}, {pipeline_mode = #tpu.pipeline_mode<synchronous>, transform_indices = @transform_3, window_bounds = array<i64: 1024, 64>}, {transform_indices = @transform_4, window_bounds = array<i64: 1, 1, 1, 4096>}, {pipeline_mode = #tpu.pipeline_mode<synchronous>, transform_indices = @transform_5, window_bounds = array<i64: 1, 1>}]} {
    %eq3A = arith.constant 0 : i32
    %eq3A_0 = arith.cmpi eq, %arg0, %eq3A : i32
    %eq3A_1 = arith.constant 0 : i32
    %eq3A_2 = arith.cmpi eq, %arg1, %eq3A_1 : i32
    %and3A = arith.andi %eq3A_0, %eq3A_2 : i1
    %convert_element_type3A = arith.extui %and3A : i1 to i32
    %cond3A = arith.constant 0 : i32
    %cond3A_3 = arith.cmpi ne, %convert_element_type3A, %cond3A : i32
    scf.if %cond3A_3 {
      %get3A_113 = arith.constant 0 : index
      %get3A_114 = arith.constant 0 : index
      %get3A_115 = vector.load %arg5[%get3A_113, %get3A_114] : memref<1024x64xf32, #tpu.memory_space<vmem>>, vector<1024x64xf32>
      %transpose3A = tpu.transpose %get3A_115, [1, 0] : vector<1024x64xf32> -> vector<64x1024xf32>
      %mul3A_116 = arith.constant -2.000000e+00 : f32
      %mul3A_117 = vector.broadcast %mul3A_116 : f32 to vector<64x1024xf32>
      %mul3A_118 = arith.mulf %mul3A_117, %transpose3A : vector<64x1024xf32>
      %swap3A_119 = arith.constant 0 : index
      %swap3A_120 = arith.constant 0 : index
      %swap3A_121 = vector.load %arg8[%swap3A_119, %swap3A_120] : memref<65x1024xf32, #tpu.memory_space<vmem>>, vector<64x1024xf32>
      tpu.vector_store %arg8[%swap3A_119, %swap3A_120], %mul3A_118 {strides = array<i32>} : memref<65x1024xf32, #tpu.memory_space<vmem>>, vector<64x1024xf32>,
      %mul3A_122 = arith.mulf %transpose3A, %transpose3A : vector<64x1024xf32>
      %reduce_sum3A_123 = arith.constant dense<0.000000e+00> : vector<1024xf32>
      %reduce_sum3A_124 = vector.multi_reduction <add>, %mul3A_122, %reduce_sum3A_123 [0] : vector<64x1024xf32> to vector<1024xf32>
      %broadcast_in_dim3A_125 = vector.shape_cast %reduce_sum3A_124 : vector<1024xf32> to vector<1x1024xf32>
      %swap3A_126 = arith.constant 64 : index
      %swap3A_127 = arith.constant 0 : index
      %swap3A_128 = vector.load %arg8[%swap3A_126, %swap3A_127] : memref<65x1024xf32, #tpu.memory_space<vmem>>, vector<1x1024xf32>
      tpu.vector_store %arg8[%swap3A_126, %swap3A_127], %broadcast_in_dim3A_125 {strides = array<i32>} : memref<65x1024xf32, #tpu.memory_space<vmem>>, vector<1x1024xf32>,
    } else {
    }
    %get3A = arith.constant 0 : index
    %get3A_4 = arith.constant 0 : index
    %get3A_5 = vector.load %arg2[%get3A, %get3A_4] : memref<4096x512xf32, #tpu.memory_space<vmem>>, vector<4096x512xf32>
    %get3A_6 = arith.constant 0 : index
    %get3A_7 = arith.constant 0 : index
    %get3A_8 = vector.load %arg8[%get3A_6, %get3A_7] : memref<65x1024xf32, #tpu.memory_space<vmem>>, vector<64x1024xf32>
    %get3A_9 = arith.constant 64 : index
    %get3A_10 = arith.constant 0 : index
    %get3A_11 = vector.load %arg8[%get3A_9, %get3A_10] : memref<65x1024xf32, #tpu.memory_space<vmem>>, vector<1x1024xf32>
    %get3A_12 = arith.constant 0 : index
    %get3A_13 = arith.constant 0 : index
    %get3A_14 = arith.constant 0 : index
    %get3A_15 = vector.load %arg3[%get3A_12, %get3A_13, %get3A_14] : memref<1x64x512xf32, #tpu.memory_space<vmem>>, vector<1x64x512xf32>
    %get3A_16 = vector.shape_cast %get3A_15 : vector<1x64x512xf32> to vector<64x512xf32>
    %get3A_17 = arith.constant 0 : index
    %get3A_18 = arith.constant 0 : index
    %get3A_19 = arith.constant 0 : index
    %get3A_20 = vector.load %arg4[%get3A_17, %get3A_18, %get3A_19] : memref<1x1x64xf32, #tpu.memory_space<vmem>>, vector<1x1x64xf32>
    %get3A_21 = vector.shape_cast %get3A_20 : vector<1x1x64xf32> to vector<64xf32>
    %dot_general3A = arith.constant dense<0.000000e+00> : vector<4096x64xf32>
    %dot_general3A_22 = tpu.matmul %get3A_5, %get3A_16, %dot_general3A {dimension_numbers = #tpu.dot_dimension_numbers<[1], [1], [0], [0], [0, 0, 1, 0], [], []>, transpose_lhs_hint = false} : vector<4096x512xf32>, vector<64x512xf32>, vector<4096x64xf32> -> vector<4096x64xf32>
    %broadcast_in_dim3A = vector.shape_cast %get3A_21 : vector<64xf32> to vector<1x64xf32>
    %add3A = vector.broadcast %broadcast_in_dim3A : vector<1x64xf32> to vector<4096x64xf32>
    %add3A_23 = arith.addf %dot_general3A_22, %add3A : vector<4096x64xf32>
    %dot_general3A_24 = arith.constant dense<0.000000e+00> : vector<4096x1024xf32>
    %dot_general3A_25 = tpu.matmul %add3A_23, %get3A_8, %dot_general3A_24 {dimension_numbers = #tpu.dot_dimension_numbers<[1], [0], [0], [1], [0, 0, 1, 1], [], []>, transpose_lhs_hint = false} : vector<4096x64xf32>, vector<64x1024xf32>, vector<4096x1024xf32> -> vector<4096x1024xf32>
    %add3A_26 = vector.broadcast %get3A_11 : vector<1x1024xf32> to vector<4096x1024xf32>
    %add3A_27 = arith.addf %add3A_26, %dot_general3A_25 : vector<4096x1024xf32>
    %iota3A = tpu.iota {dimensions = array<i32: 1>} : vector<4096x128xi32>
    %convert_element_type3A_28 = arith.sitofp %iota3A : vector<4096x128xi32> to vector<4096x128xf32>
    %slice3A = vector.extract_strided_slice %add3A_27 {offsets = [0, 0], sizes = [4096, 128], strides = [1, 1]} : vector<4096x1024xf32> to vector<4096x128xf32>
    %slice3A_29 = vector.extract_strided_slice %add3A_27 {offsets = [0, 128], sizes = [4096, 128], strides = [1, 1]} : vector<4096x1024xf32> to vector<4096x128xf32>
    %lt3A = arith.cmpf olt, %slice3A_29, %slice3A : vector<4096x128xf32>
    %select_n3A = arith.select %lt3A, %slice3A_29, %slice3A : vector<4096x128xi1>, vector<4096x128xf32>
    %add3A_30 = arith.constant 1.280000e+02 : f32
    %add3A_31 = vector.broadcast %add3A_30 : f32 to vector<4096x128xf32>
    %add3A_32 = arith.addf %add3A_31, %convert_element_type3A_28 : vector<4096x128xf32>
    %select_n3A_33 = arith.select %lt3A, %add3A_32, %convert_element_type3A_28 : vector<4096x128xi1>, vector<4096x128xf32>
    %slice3A_34 = vector.extract_strided_slice %add3A_27 {offsets = [0, 256], sizes = [4096, 128], strides = [1, 1]} : vector<4096x1024xf32> to vector<4096x128xf32>
    %lt3A_35 = arith.cmpf olt, %slice3A_34, %select_n3A : vector<4096x128xf32>
    %select_n3A_36 = arith.select %lt3A_35, %slice3A_34, %select_n3A : vector<4096x128xi1>, vector<4096x128xf32>
    %add3A_37 = arith.constant 2.560000e+02 : f32
    %add3A_38 = vector.broadcast %add3A_37 : f32 to vector<4096x128xf32>
    %add3A_39 = arith.addf %add3A_38, %convert_element_type3A_28 : vector<4096x128xf32>
    %select_n3A_40 = arith.select %lt3A_35, %add3A_39, %select_n3A_33 : vector<4096x128xi1>, vector<4096x128xf32>
    %slice3A_41 = vector.extract_strided_slice %add3A_27 {offsets = [0, 384], sizes = [4096, 128], strides = [1, 1]} : vector<4096x1024xf32> to vector<4096x128xf32>
    %lt3A_42 = arith.cmpf olt, %slice3A_41, %select_n3A_36 : vector<4096x128xf32>
    %select_n3A_43 = arith.select %lt3A_42, %slice3A_41, %select_n3A_36 : vector<4096x128xi1>, vector<4096x128xf32>
    %add3A_44 = arith.constant 3.840000e+02 : f32
    %add3A_45 = vector.broadcast %add3A_44 : f32 to vector<4096x128xf32>
    %add3A_46 = arith.addf %add3A_45, %convert_element_type3A_28 : vector<4096x128xf32>
    %select_n3A_47 = arith.select %lt3A_42, %add3A_46, %select_n3A_40 : vector<4096x128xi1>, vector<4096x128xf32>
    %slice3A_48 = vector.extract_strided_slice %add3A_27 {offsets = [0, 512], sizes = [4096, 128], strides = [1, 1]} : vector<4096x1024xf32> to vector<4096x128xf32>
    %lt3A_49 = arith.cmpf olt, %slice3A_48, %select_n3A_43 : vector<4096x128xf32>
    %select_n3A_50 = arith.select %lt3A_49, %slice3A_48, %select_n3A_43 : vector<4096x128xi1>, vector<4096x128xf32>
    %add3A_51 = arith.constant 5.120000e+02 : f32
    %add3A_52 = vector.broadcast %add3A_51 : f32 to vector<4096x128xf32>
    %add3A_53 = arith.addf %add3A_52, %convert_element_type3A_28 : vector<4096x128xf32>
    %select_n3A_54 = arith.select %lt3A_49, %add3A_53, %select_n3A_47 : vector<4096x128xi1>, vector<4096x128xf32>
    %slice3A_55 = vector.extract_strided_slice %add3A_27 {offsets = [0, 640], sizes = [4096, 128], strides = [1, 1]} : vector<4096x1024xf32> to vector<4096x128xf32>
    %lt3A_56 = arith.cmpf olt, %slice3A_55, %select_n3A_50 : vector<4096x128xf32>
    %select_n3A_57 = arith.select %lt3A_56, %slice3A_55, %select_n3A_50 : vector<4096x128xi1>, vector<4096x128xf32>
    %add3A_58 = arith.constant 6.400000e+02 : f32
    %add3A_59 = vector.broadcast %add3A_58 : f32 to vector<4096x128xf32>
    %add3A_60 = arith.addf %add3A_59, %convert_element_type3A_28 : vector<4096x128xf32>
    %select_n3A_61 = arith.select %lt3A_56, %add3A_60, %select_n3A_54 : vector<4096x128xi1>, vector<4096x128xf32>
    %slice3A_62 = vector.extract_strided_slice %add3A_27 {offsets = [0, 768], sizes = [4096, 128], strides = [1, 1]} : vector<4096x1024xf32> to vector<4096x128xf32>
    %lt3A_63 = arith.cmpf olt, %slice3A_62, %select_n3A_57 : vector<4096x128xf32>
    %select_n3A_64 = arith.select %lt3A_63, %slice3A_62, %select_n3A_57 : vector<4096x128xi1>, vector<4096x128xf32>
    %add3A_65 = arith.constant 7.680000e+02 : f32
    %add3A_66 = vector.broadcast %add3A_65 : f32 to vector<4096x128xf32>
    %add3A_67 = arith.addf %add3A_66, %convert_element_type3A_28 : vector<4096x128xf32>
    %select_n3A_68 = arith.select %lt3A_63, %add3A_67, %select_n3A_61 : vector<4096x128xi1>, vector<4096x128xf32>
    %slice3A_69 = vector.extract_strided_slice %add3A_27 {offsets = [0, 896], sizes = [4096, 128], strides = [1, 1]} : vector<4096x1024xf32> to vector<4096x128xf32>
    %lt3A_70 = arith.cmpf olt, %slice3A_69, %select_n3A_64 : vector<4096x128xf32>
    %select_n3A_71 = arith.select %lt3A_70, %slice3A_69, %select_n3A_64 : vector<4096x128xi1>, vector<4096x128xf32>
    %add3A_72 = arith.constant 8.960000e+02 : f32
    %add3A_73 = vector.broadcast %add3A_72 : f32 to vector<4096x128xf32>
    %add3A_74 = arith.addf %add3A_73, %convert_element_type3A_28 : vector<4096x128xf32>
    %select_n3A_75 = arith.select %lt3A_70, %add3A_74, %select_n3A_68 : vector<4096x128xi1>, vector<4096x128xf32>
    %reduce_min3A = arith.constant dense<0x7F800000> : vector<4096xf32>
    %reduce_min3A_76 = vector.multi_reduction <minimumf>, %select_n3A_71, %reduce_min3A [1] : vector<4096x128xf32> to vector<4096xf32>
    %broadcast_in_dim3A_77 = vector.shape_cast %reduce_min3A_76 : vector<4096xf32> to vector<4096x1xf32>
    %eq3A_78 = vector.broadcast %broadcast_in_dim3A_77 : vector<4096x1xf32> to vector<4096x128xf32>
    %eq3A_79 = arith.cmpf oeq, %select_n3A_71, %eq3A_78 : vector<4096x128xf32>
    %jit3A = arith.constant 0.000000e+00 : f32
    %broadcast_in_dim3A_80 = vector.broadcast %jit3A : f32 to vector<4096x128xf32>
    %select_n3A_81 = arith.select %eq3A_79, %select_n3A_75, %broadcast_in_dim3A_80 : vector<4096x128xi1>, vector<4096x128xf32>
    %broadcast_in_dim3A_82 = arith.constant 1.000000e+00 : f32
    %broadcast_in_dim3A_83 = vector.broadcast %broadcast_in_dim3A_82 : f32 to vector<128x1xf32>
    %dot_general3A_84 = arith.constant dense<0.000000e+00> : vector<4096x1xf32>
    %dot_general3A_85 = tpu.matmul %select_n3A_81, %broadcast_in_dim3A_83, %dot_general3A_84 {dimension_numbers = #tpu.dot_dimension_numbers<[1], [0], [0], [1], [0, 0, 1, 1], [], []>, precision = #tpu.contract_precision<fp32>, transpose_lhs_hint = false} : vector<4096x128xf32>, vector<128x1xf32>, vector<4096x1xf32> -> vector<4096x1xf32>
    %squeeze3A = vector.shape_cast %dot_general3A_85 : vector<4096x1xf32> to vector<4096xf32>
    %min3A = arith.constant 1.023000e+03 : f32
    %min3A_86 = vector.broadcast %min3A : f32 to vector<4096xf32>
    %min3A_87 = arith.minimumf %squeeze3A, %min3A_86 : vector<4096xf32>
    %convert_element_type3A_88 = arith.fptosi %min3A_87 : vector<4096xf32> to vector<4096xi32>
    %swap3A = arith.constant 0 : index
    %swap3A_89 = arith.constant 0 : index
    %swap3A_90 = arith.constant 0 : index
    %swap3A_91 = arith.constant 0 : index
    %swap3A_92 = vector.load %arg6[%swap3A, %swap3A_89, %swap3A_90, %swap3A_91] : memref<1x1x1x4096xi32, #tpu.memory_space<vmem>>, vector<1x1x1x4096xi32>
    %swap3A_93 = vector.shape_cast %swap3A_92 : vector<1x1x1x4096xi32> to vector<4096xi32>
    %swap3A_94 = vector.shape_cast %convert_element_type3A_88 : vector<4096xi32> to vector<1x1x1x4096xi32>
    tpu.vector_store %arg6[%swap3A, %swap3A_89, %swap3A_90, %swap3A_91], %swap3A_94 {strides = array<i32>} : memref<1x1x1x4096xi32, #tpu.memory_space<vmem>>, vector<1x1x1x4096xi32>,
    %mul3A = arith.mulf %add3A_23, %add3A_23 : vector<4096x64xf32>
    %reduce_sum3A = arith.constant dense<0.000000e+00> : vector<4096xf32>
    %reduce_sum3A_95 = vector.multi_reduction <add>, %mul3A, %reduce_sum3A [1] : vector<4096x64xf32> to vector<4096xf32>
    %squeeze3A_96 = vector.shape_cast %broadcast_in_dim3A_77 : vector<4096x1xf32> to vector<4096xf32>
    %add3A_97 = arith.addf %squeeze3A_96, %reduce_sum3A_95 : vector<4096xf32>
    %reduce_sum3A_98 = vector.shape_cast %add3A_97 : vector<4096xf32> to vector<1x4096xf32>
    %reduce_sum3A_99 = arith.constant dense<0.000000e+00> : vector<1xf32>
    %reduce_sum3A_100 = vector.multi_reduction <add>, %reduce_sum3A_98, %reduce_sum3A_99 [1] : vector<1x4096xf32> to vector<1xf32>
    %reduce_sum3A_101 = vector.shape_cast %reduce_sum3A_100 : vector<1xf32> to vector<1x1xf32>
    %reduce_sum3A_102 = vector.extract %reduce_sum3A_101[0, 0] : f32 from vector<1x1xf32>
    %convert_element_type3A_103 = arith.extui %and3A : i1 to i32
    %cond3A_104 = arith.constant 0 : i32
    %cond3A_105 = arith.cmpi ne, %convert_element_type3A_103, %cond3A_104 : i32
    scf.if %cond3A_105 {
      %broadcast_in_dim3A_113 = arith.constant 0.000000e+00 : f32
      %broadcast_in_dim3A_114 = vector.broadcast %broadcast_in_dim3A_113 : f32 to vector<1x1xf32>
      %swap3A_115 = arith.constant 0 : index
      %swap3A_116 = arith.constant 0 : index
      %swap3A_117 = vector.load %arg7[%swap3A_115, %swap3A_116] : memref<1x1xf32, #tpu.memory_space<vmem>>, vector<1x1xf32>
      tpu.vector_store %arg7[%swap3A_115, %swap3A_116], %broadcast_in_dim3A_114 {strides = array<i32>} : memref<1x1xf32, #tpu.memory_space<vmem>>, vector<1x1xf32>,
    } else {
    }
    %get3A_106 = arith.constant 0 : index
    %get3A_107 = arith.constant 0 : index
    %get3A_108 = vector.load %arg7[%get3A_106, %get3A_107] : memref<1x1xf32, #tpu.memory_space<vmem>>, vector<1x1xf32>
    %reshape3A = vector.broadcast %reduce_sum3A_102 : f32 to vector<1x1xf32>
    %add3A_109 = arith.addf %get3A_108, %reshape3A : vector<1x1xf32>
    %swap3A_110 = arith.constant 0 : index
    %swap3A_111 = arith.constant 0 : index
    %swap3A_112 = vector.load %arg7[%swap3A_110, %swap3A_111] : memref<1x1xf32, #tpu.memory_space<vmem>>, vector<1x1xf32>
    tpu.vector_store %arg7[%swap3A_110, %swap3A_111], %add3A_109 {strides = array<i32>} : memref<1x1xf32, #tpu.memory_space<vmem>>, vector<1x1xf32>,
    return
  }
  func.func @transform_0(%arg0: i32, %arg1: i32) -> (i32, i32) {
    %c0_i32 = arith.constant 0 : i32
    %c0_i32_0 = arith.constant 0 : i32
    return %arg0, %c0_i32 : i32, i32
  }
  func.func @transform_1(%arg0: i32, %arg1: i32) -> (i32, i32, i32) {
    %c0_i32 = arith.constant 0 : i32
    %c0_i32_0 = arith.constant 0 : i32
    %c0_i32_1 = arith.constant 0 : i32
    return %arg1, %c0_i32, %c0_i32_0 : i32, i32, i32
  }
  func.func @transform_2(%arg0: i32, %arg1: i32) -> (i32, i32, i32) {
    %c0_i32 = arith.constant 0 : i32
    %c0_i32_0 = arith.constant 0 : i32
    %c0_i32_1 = arith.constant 0 : i32
    return %arg1, %c0_i32, %c0_i32_0 : i32, i32, i32
  }
  func.func @transform_3(%arg0: i32, %arg1: i32) -> (i32, i32) {
    %c0_i32 = arith.constant 0 : i32
    %c0_i32_0 = arith.constant 0 : i32
    %c0_i32_1 = arith.constant 0 : i32
    return %c0_i32, %c0_i32_0 : i32, i32
  }
  func.func @transform_4(%arg0: i32, %arg1: i32) -> (i32, i32, i32, i32) {
    %c0_i32 = arith.constant 0 : i32
    %c0_i32_0 = arith.constant 0 : i32
    %c0_i32_1 = arith.constant 0 : i32
    return %arg0, %arg1, %c0_i32, %c0_i32_0 : i32, i32, i32, i32
  }
  func.func @transform_5(%arg0: i32, %arg1: i32) -> (i32, i32) {
    %c0_i32 = arith.constant 0 : i32
    %c0_i32_0 = arith.constant 0 : i32
    %c0_i32_1 = arith.constant 0 : i32
    return %c0_i32, %c0_i32_0 : i32, i32
  }
}

</mosaic_0001>

<sc_bundles>
// kernel: kernel.6.cloned.1.call-start
scs
__scs_entry_jumppad:
0x0: {  	(pc) =	sbr.rel $0x88, $3  }
0x1: {  	(tag) =	ssettag $0x0;
	lr =	simm.s32 $0x1  }
0x2: {  	[smem:$0x3F9D] =	sst lr;
	_ =	strace $0xD0000000  }
0x3: {  	_ = 	snop  }
0x4: {  	_ = 	snop  }
0x5: {  	_ = 	snop  }
0x6: {  	_ = 	snop  }
0x7: {  	_ = 	snop  }
__scs_overlays_trampoline_lowered:
0x8: {  	[smem:$0x3FAC] =	sst s0  }
0x9: {  	[smem:$0x3FAD] =	sst s1  }
0xa: {  	[smem:$0x3FAE] =	sst s2  }
0xb: {  	[smem:$0x3FAF] =	sst s3  }
0xc: {  	[smem:$0x3FB0] =	sst s4  }
0xd: {  	[smem:$0x3FB1] =	sst s5  }
0xe: {  	[smem:$0x3FB2] =	sst s6  }
0xf: {  	[smem:$0x3FB3] =	sst s7  }
0x10: {  	[smem:$0x3FB4] =	sst s8  }
0x11: {  	[smem:$0x3FB5] =	sst s9;
	s0 =	simm.s32 @!p0 $0x0  }
0x12: {  	s1 =	sld [smem:$0x3F9B];
	s0 =	simm.s32 @p0 $0x1  }
0x13: {  	[smem:$0x3FB6] =	sst s0;
	s0 =	simm.s32 @!p1 $0x0  }
0x14: {  	s2 =	sld [smem:$0x3F9A];
	s0 =	simm.s32 @p1 $0x1  }
0x15: {  	[smem:$0x3FB7] =	sst s0;
	s0 =	simm.s32 @!p2 $0x0  }
0x16: {  	s3 =	sld [smem:$0x3FDB];
	s0 =	simm.s32 @p2 $0x1  }
0x17: {  	s4 =	simm.s32 $0x1BF5;
	[smem:$0x3FB9] =	sst s0  }
0x18: {  	s0 =	sld [smem:$0x3F9C];
	_ =	swait.ge [sflag:s4], $0x0  }
0x19: {  	s7 =	sld [smem:$0x3F9D]  }
0x1a: {  	s8 =	sadd.s32 $0xFFFFE003, lr  }
0x1b: {  	s9 =	sadd.s32 $0xFFFFFEF7, lr;
	s5 =	simm.s32 $0xFFFFFFFF;
	p2 =	slt.u32 s8, $0xFFFFF086  }
0x1c: {  	p1 =	slt.u32 s9, $0xF7A;
	s5 =	simm.s32 @!p2 $0x0  }
0x1d: {  	s5 =	simm.s32 @p1 $0x1;
	p0 =	seq.s32 s7, s2  }
0x1e: {  	s7 =	smul.u32 @!p0 $0xF7A, s2;
	p2 =	seq.s32 @!p0 s5, $0x0  }
0x1f: {  	s9 =	smul.u32 $0xF7A, s1;
	s8 =	simm.s32 @!p0 $0x1BF5;
	p2 =	por !p2, p0  }
0x20: {  	[sflag:s8] =	ssyncset.s32 @!p0 $0xFFFFF086;
	s6 =	sadd.s32 @!p0 s3, s7;
	s7 =	simm.s32 @!p0 $0x108  }
0x21: {  	s3 =	sadd.s32 s3, s9;
	s6 =	sadd.s32 @!p0 $0x88, s6;
	s7 =	simm.s32 @p2 $0x1082  }
0x22: {  	[simem:s7], [sflag:s8] =	dma.local @!p0 [hbm:s6], $0xF7A  }
0x23: {  	s9 =	sor.u32 $0xD0000000, s2;
	s6 =	simm.s32 $0x108;
	_ =	swait.ge @!p0 [sflag:s8], $0x0  }
0x24: {  	s3 =	sadd.s32 $0x88, s3;
	s6 =	simm.s32 @!p1 $0x1082;
	[sflag:s4] =	ssyncset.s32 $0xFFFFF086  }
0x25: {  	[simem:s6], [sflag:s4] =	dma.local [hbm:s3], $0xF7A  }
0x26: {  	[smem:$0x3F9D] =	sst s1;
	(tag) =	ssettag s2;
	_ =	strace s9  }
0x27: {  	s1 =	sld [smem:$0x3FAD]  }
0x28: {  	s2 =	sld [smem:$0x3FAE]  }
0x29: {  	s4 =	sld [smem:$0x3FB0]  }
0x2a: {  	p0 =	seq.s32 s5, $0x0;
	s5 =	sld [smem:$0x3FB1]  }
0x2b: {  	s6 =	sld [smem:$0x3FB2]  }
0x2c: {  	s7 =	sld [smem:$0x3FB3]  }
0x2d: {  	s3 =	simm.s32 $0x108;
	s8 =	sld [smem:$0x3FB4]  }
0x2e: {  	s3 =	simm.s32 @!p0 $0x1082;
	s9 =	sld [smem:$0x3FB5]  }
0x2f: {  	lr =	sadd.s32 s0, s3;
	s0 =	sld [smem:$0x3FAC]  }
0x30: {  	s3 =	sld [smem:$0x3FAF]  }
0x31: {  	[smem:$0x3FB8] =	sst s10  }
0x32: {  	s10 =	sld [smem:$0x3FB6];
	_ =	sdelay $0x3  }
0x33: {  	p0 =	seq.s32 s10, $0x1;
	s10 =	sld [smem:$0x3FB8];
	_ =	sdelay $0x3  }
0x34: {  	[smem:$0x3FB8] =	sst s10  }
0x35: {  	s10 =	sld [smem:$0x3FB7];
	_ =	sdelay $0x3  }
0x36: {  	p1 =	seq.s32 s10, $0x1;
	s10 =	sld [smem:$0x3FB8];
	_ =	sdelay $0x3  }
0x37: {  	[smem:$0x3FB8] =	sst s10  }
0x38: {  	s10 =	sld [smem:$0x3FB9]  }
0x39: {  	_ = 	snop;
	(pc) =	sbr.ind lr, $3  }
0x3a: {  	_ = 	snop  }
0x3b: {  	_ = 	snop  }
0x3c: {  	p2 =	seq.s32 s10, $0x1;
	s10 =	sld [smem:$0x3FB8]  }
0x3d: {  	_ =	shalt  }
0x3e: {  	_ =	shalt  }
0x3f: {  	_ =	shalt  }
0x40: {  	_ =	shalt  }
0x41: {  	_ =	shalt  }
0x42: {  	_ =	shalt  }
0x43: {  	_ =	shalt  }
0x44: {  	_ =	shalt  }
0x45: {  	_ =	shalt  }
0x46: {  	_ =	shalt  }
0x47: {  	_ =	shalt  }
0x48: {  	_ =	shalt  }
0x49: {  	_ =	shalt  }
0x4a: {  	_ =	shalt  }
0x4b: {  	_ =	shalt  }
0x4c: {  	_ =	shalt  }
0x4d: {  	_ =	shalt  }
0x4e: {  	_ =	shalt  }
0x4f: {  	_ =	shalt  }
0x50: {  	_ =	shalt  }
0x51: {  	_ =	shalt  }
0x52: {  	_ =	shalt  }
0x53: {  	_ =	shalt  }
0x54: {  	_ =	shalt  }
0x55: {  	_ =	shalt  }
0x56: {  	_ =	shalt  }
0x57: {  	_ =	shalt  }
0x58: {  	_ =	shalt  }
0x59: {  	_ =	shalt  }
0x5a: {  	_ =	shalt  }
0x5b: {  	_ =	shalt  }
0x5c: {  	_ =	shalt  }
0x5d: {  	_ =	shalt  }
0x5e: {  	_ =	shalt  }
0x5f: {  	_ =	shalt  }
0x60: {  	_ =	shalt  }
0x61: {  	_ =	shalt  }
0x62: {  	_ =	shalt  }
0x63: {  	_ =	shalt  }
0x64: {  	_ =	shalt  }
0x65: {  	_ =	shalt  }
0x66: {  	_ =	shalt  }
0x67: {  	_ =	shalt  }
0x68: {  	_ =	shalt  }
0x69: {  	_ =	shalt  }
0x6a: {  	_ =	shalt  }
0x6b: {  	_ =	shalt  }
0x6c: {  	_ =	shalt  }
0x6d: {  	_ =	shalt  }
0x6e: {  	_ =	shalt  }
0x6f: {  	_ =	shalt  }
0x70: {  	_ =	shalt  }
0x71: {  	_ =	shalt  }
0x72: {  	_ =	shalt  }
0x73: {  	_ =	shalt  }
0x74: {  	_ =	shalt  }
0x75: {  	_ =	shalt  }
0x76: {  	_ =	shalt  }
0x77: {  	_ =	shalt  }
0x78: {  	_ =	shalt  }
0x79: {  	_ =	shalt  }
0x7a: {  	_ =	shalt  }
0x7b: {  	_ =	shalt  }
0x7c: {  	_ =	shalt  }
0x7d: {  	_ =	shalt  }
0x7e: {  	_ =	shalt  }
0x7f: {  	_ =	shalt  }
0x80: {  	_ =	shalt  }
0x81: {  	_ =	shalt  }
0x82: {  	_ =	shalt  }
0x83: {  	_ =	shalt  }
0x84: {  	_ =	shalt  }
0x85: {  	_ =	shalt  }
0x86: {  	_ =	shalt  }
0x87: {  	_ =	shalt  }
.Lfunc_end0:
.L_simem_size_0:
called_computation_lowered:
.L_overlay_start_0:
0x88: {  	s2 =	sld [smem:$0x3FD9]  }
0x89: {  	s3 =	sld [smem:$0x3FFE];
	_ =	sdelay $0x1  }
0x8a: {  	s1 =	srdreg.scid  }
0x8b: {  	s0 =	sand.u32 $0x1, s1  }
0x8c: {  	s14 =	sshll.u32 s0, $0xA;
	s2 =	sadd.s32 s3, s2  }
0x8d: {  	s2 =	sadd.s32 s2, s14  }
0x8e: {  	[smem:$0x3FC4] =	sst s2  }
0x8f: {  	_ = 	snop  }
0x90: {  	s2 =	sld [smem:$0x3FD0];
	_ =	sdelay $0x2  }
0x91: {  	s15 =	simm.s32 $0xB;
	s4 =	simm.s32 $0x10  }
0x92: {  	[smem:s4], [sflag:s15] =	dma.local [hbm:s2], $0x1  }
0x93: {  	_ =	swait.eq [sflag:s15], $0x1  }
0x94: {  	[sflag:s15] =	ssyncset.done $0x0  }
0x95: {  	[sflag:s15] =	ssyncadd.s32 $0xFFFFFFFF  }
0x96: {  	s16 =	sld [smem:$0x11];
	(tm) =	ssettm $0x1  }
0x97: {  	s17 =	sld [smem:$0x3FFB];
	_ =	sdelay $0x3  }
0x98: {  	_ =	strace s17  }
0x99: {  	s3 =	sld [smem:$0x3FFC];
	_ =	sdelay $0x3  }
0x9a: {  	_ =	strace s3  }
0x9b: {  	s3 =	sld [smem:$0x3FFD];
	_ =	sdelay $0x3  }
0x9c: {  	_ =	strace s3  }
0x9d: {  	_ =	strace $0x8FFFFFFF  }
0x9e: {  	s18 =	sld [smem:$0x3FDB];
	_ =	sdelay $0x1  }
0x9f: {  	s19 =	simm.s32 $_scs_section_size  }
0xa0: {  	s5 =	simm.s32 $_size__tile_overlayer_lowered;
	s6 =	simm.s32 $_tile_overlayer_lowered  }
0xa1: {  	s22 =	simm.s32 $0x1BFF;
	s21 =	sshll.u32 s6, $0x1;
	s3 =	sadd.s32 s19, s18  }
0xa2: {  	s7 =	simm.s32 $0x0;
	s20 =	sshll.u32 s5, $0x1;
	s5 =	sadd.s32 s21, s3  }
0xa3: {  	[timem:s7], [sflag:s22] =	dma.local [hbm:s5], s20  }
0xa4: {  	_ =	swait.ge [sflag:s22], s20  }
0xa5: {  	s4 =	ssub.s32 $0x0, s20;
	[sflag:s22] =	ssyncset.done $0x0  }
0xa6: {  	[sflag:s22] =	ssyncadd.s32 s4;
	_ =	sdelay $0x1  }
0xa7: {  	s23 =	simm.s32 $0x1B8B  }
0xa8: {  	_ =	swait.ge [sflag:s23], $0x1  }
0xa9: {  	[sflag:s23] =	ssyncset.done $0x0  }
0xaa: {  	s25 =	simm.s32 $0x1B8E;
	s24 =	sld [smem:$0x3FFE];
	[sflag:s23] =	ssyncadd.s32 $0xFFFFFFFF  }
0xab: {  	s26 =	simm.s32 $execute0_lowered;
	[smem:$0x3FD2] =	sst s25  }
0xac: {  	s5 =	sshll.u32 s26, $0x1;
	_ =	strace $0x80000046;
	[dreg:$0x1] =	wrdreg $0xFFFFFFFF  }
0xad: {  	s28 =	simm.s32 $_size_execute0_lowered;
	s3 =	sadd.s32 s3, s5;
	[dreg:$0x0] =	wrdreg $0x0  }
0xae: {  	s5 =	sshll.u32 s28, $0x1;
	[dreg:$0x2] =	wrdreg s3  }
0xaf: {  	[dreg:$0x3] =	wrdreg s5  }
0xb0: {  	[dreg:$0x4] =	wrdreg $0xC0  }
0xb1: {  	_ =	task [dreg:s7], $0x5FFFF  }
0xb2: {  	[dreg:$0x1] =	wrdreg $0xFFFFFFFF  }
0xb3: {  	[dreg:$0x0] =	wrdreg $0x60  }
0xb4: {  	[dreg:$0x2] =	wrdreg s24  }
0xb5: {  	[dreg:$0x3] =	wrdreg s16  }
0xb6: {  	[dreg:$0x4] =	wrdreg $0x9  }
0xb7: {  	_ =	task.clear_ibuf [dreg:s7], $0x5FFFF;
	_ =	strace $0x90000046  }
0xb8: {  	s29 =	simm.s32 $0x9;
	_ =	strace $0x80000048  }
0xb9: {  	_ =	swait.ge [sflag:s29], $0x1  }
0xba: {  	[sflag:s29] =	ssyncadd.s32 $0xFFFFFFFF  }
0xbb: {  	_ =	strace $0x90000048  }
0xbc: {  	_ =	sfence  }
0xbd: {  	s30 =	sld [smem:$0x0];
	_ =	sdelay $0x2  }
0xbe: {  	s31 =	sshll.u32 s1, $0xD;
	s1 =	sshrl.u32 s1, $0x2  }
0xbf: {  	s3 =	sand.u32 $0x4000, s31;
	s1 =	sadd.s32 s1, s30  }
0xc0: {  	s0 =	sor.u32 s3, s0;
	s1 =	sshll.u32 s1, $0x11  }
0xc1: {  	s0 =	sor.u32 s1, s0  }
0xc2: {  	s0 =	sadd.s32 $0x8F2B, s0  }
0xc3: {  	[sflag:s0] =	ssyncadd.remote.s32 $0x1  }
0xc4: {  	_ =	sfence.sel $0xFFFF  }
0xc5: {  	[dreg:$0x0] =	wrdreg $0xFFFFFFFF;
	(pc) =	sbr.abs _section_cstart, $3  }
0xc6: {  	[dreg:$0x1] =	wrdreg $0xFFFFFFFF  }
0xc7: {  	_ =	task.clear_ibuf [dreg:s7], $0x2FFFF;
	_ =	strace $0x9FFFFFFF  }
0xc8: {  	(tm) =	ssettm $0x7FFFFFFF  }
0xc9: {  	_ =	shalt  }
tec
execute0_lowered:
.L_overlay_start_1:
0x0: {  	(tag) =	ssettag $0x1  }
0x1: {  	s4 =	rddreg [dreg:$0x0]  }
0x2: {  	s6 =	rddreg [dreg:$0x1]  }
0x3: {  	s0 =	rddreg [dreg:$0x2]  }
0x4: {  	s3 =	srdreg.scid;
	s2 =	simm.s32 $0x0;
	s1 =	stileid.u32  }
0x5: {  	s10 =	simm.s32 $0x10400;
	s11 =	simm.s32 $0x40;
	s12 =	simm.s32 $0x200  }
0x6: {  	s13 =	simm.s32 $0x0;
	s5 =	sand.u32 $0x1, s3;
	[smem:$0x7FF] =	sst s2  }
0x7: {  	s30 =	sshll.u32 s1, $0x4;
	s3 =	sadd.s32 $0x2400, s4;
	s9 =	sshll.u32 s1, $0x2  }
0x8: {  	s7 =	sshll.u32 s5, $0x3;
	_ =	strace $0x80000047;
	s5 =	ssub.s32 $0x2, s5  }
0x9: {  	s9 =	sand.u32 $0x38, s9;
	s7 =	sor.u32 s7, s30;
	s31 =	sshrl.u32 s5, $0x1  }
0xa: {  	s6 =	sadd.s32 s6, s9;
	s9 =	simm.s32 $0x10000;
	s8 =	sshll.u32 s7, $0x4  }
0xb: {  	v0 =	vlaneseq.u32;
	s4 =	sadd.s32 s8, s4;
	s8 =	ssub.s32 s5, s31;
	s5 =	sand.u32 $0x18, s7  }
0xc: {  	v0 =	vmul.u32 $0x40, v0;
	s4 =	sadd.s32 $0x4400, s4;
	s7 =	smax.u32 s8, $0x1;
	s8 =	simm.s32 $0x1  }
.LBB2_1:
0xd: {  	[tilespmem:s2], [sflag:$0x1] =	stream.linear.gather [hbm4b:s3+s2], $0x10000, $0x38;
	[tilespmem:$0x12400] =	vst v63  }
0xe: {  	_ =	swait.ge [sflag:s8], $0x10000  }
0xf: {  	[sflag:s8] =	ssyncset.done $0x0  }
0x10: {  	[sflag:s8] =	ssyncadd.s32 $0xFFFF0000  }
0x11: {  	[tilespmem:s9], [sflag:$0x1] =	stream.linear.gather [hbm4b:s4+s2], $0x400, $0x38;
	[tilespmem:$0x12400] =	vst v63  }
0x12: {  	_ =	swait.ge [sflag:s8], $0x400  }
0x13: {  	[sflag:s8] =	ssyncset.done $0x0  }
0x14: {  	s14 =	simm.s32 $0x0;
	[sflag:s8] =	ssyncadd.s32 $0xFFFFFC00  }
.LBB2_2:
0x15: {  	s15 =	sshll.u32 s14, $0x7  }
0x16: {  	s15 =	sand.u32 $0x3FFFFF80, s15  }
0x17: {  	s15 =	sadd.s32 $0x10000, s15  }
0x18: {  	v1 =	vmov s15;
	_ =	sdelay $0x2  }
0x19: {  	s29 =	simm.s32 $0x0  }
0x1a: {  	s15 =	sand.u32 $0x70, s29  }
0x1b: {  	v2 =	vld.idx.msk [tilespmem:v1+s15+$0x0 ss:$0x1], $0xffff;
	_ =	sdelay $0x3  }
0x1c: {  	s16 =	simm.s32 $0x0  }
0x1d: {  	s16 =	sand.u32 $0x38, s16;
	v2 =	vshll.u32 v2, $0x6  }
0x1e: {  	s19 =	simm.s32 $0x2;
	s17 =	sor.u32 $0x1, s16;
	v8 =	vmov s15;
	v3 =	vor.u32 s16, v2  }
0x1f: {  	s19 =	sand.u32 $0x70, s19;
	s18 =	sor.u32 $0x2, s16;
	v8 =	vshll.u32 v8, $0x6;
	v4 =	vor.u32 s17, v2  }
0x20: {  	s26 =	simm.s32 $0x4;
	s20 =	sor.u32 $0x3, s16;
	v8 =	vor.u32 v0, v8;
	v6 =	vld.idx.msk [tilespmem:v1+s19+$0x0 ss:$0x1], $0xffff;
	v5 =	vor.u32 s18, v2  }
0x21: {  	s21 =	sor.u32 $0x4, s16;
	v20 =	vor.u32 s18, v8;
	v7 =	vor.u32 s20, v2;
	s18 =	sand.u32 $0x70, s26  }
0x22: {  	s30 =	sor.u32 $0x5, s16;
	v9 =	vor.u32 s21, v2;
	v26 =	vld.idx.msk [tilespmem:v1+s18+$0x0 ss:$0x1], $0xffff  }
0x23: {  	s31 =	simm.s32 $0x8;
	s22 =	sor.u32 $0x6, s16;
	v10 =	vor.u32 s30, v2;
	v3 =	vld.idx.msk [tilespmem:v3+s2+$0x0], $0xffff  }
0x24: {  	s24 =	sand.u32 $0x38, s31;
	s23 =	sor.u32 $0x7, s16;
	v14 =	vor.u32 s22, v2;
	v11 =	vld.idx.msk [tilespmem:v4+s2+$0x0], $0xffff  }
0x25: {  	s25 =	sor.u32 $0x1, s24;
	v13 =	vor.u32 s16, v8;
	v17 =	vshll.u32 v6, $0x6;
	v2 =	vor.u32 s23, v2;
	v15 =	vld.idx.msk [tilespmem:v5+s2+$0x0], $0xffff  }
0x26: {  	v16 =	vor.u32 s17, v8;
	v24 =	vor.u32 s25, v17;
	v18 =	vld.idx.msk [tilespmem:v7+s2+$0x0], $0xffff  }
0x27: {  	v12 =	vmov s19;
	v21 =	vor.u32 s24, v17;
	v22 =	vld.idx.msk [tilespmem:v9+s2+$0x0], $0xffff  }
0x28: {  	s29 =	sor.u32 $0x3, s24;
	v19 =	vor.u32 s21, v8;
	v23 =	vor.u32 s30, v8;
	s19 =	sor.u32 $0x2, s24;
	v9 =	vor.u32 s20, v8;
	v25 =	vld.idx.msk [tilespmem:v10+s2+$0x0], $0xffff  }
0x29: {  	v31 =	vor.u32 s22, v8;
	v27 =	vor.u32 s19, v17;
	v28 =	vor.u32 s29, v17;
	s30 =	sor.u32 $0x4, s24;
	v29 =	vld.idx.msk [tilespmem:v14+s2+$0x0], $0xffff  }
0x2a: {  	s28 =	sor.u32 $0x5, s24;
	v6 =	vmov s18;
	v30 =	vor.u32 s30, v17;
	v7 =	vshll.u32 v12, $0x6;
	v14 =	vld.idx.msk [tilespmem:v2+s2+$0x0], $0xffff;
	[tilespmem:v13+s10+$0x0] =	vst.idx.msk $0xffff, v3  }
0x2b: {  	s31 =	sor.u32 $0x7, s24;
	v4 =	vor.u32 s23, v8;
	v5 =	vor.u32 s28, v17;
	v12 =	vld.idx.msk [tilespmem:v24+s2+$0x0], $0xffff;
	v7 =	vor.u32 v0, v7;
	[tilespmem:v16+s10+$0x0] =	vst.idx.msk $0xffff, v11  }
0x2c: {  	v2 =	vor.u32 s30, v7;
	v10 =	vor.u32 s31, v7;
	[tilespmem:v20+s10+$0x0] =	vst.idx.msk $0xffff, v15;
	v11 =	vld.idx.msk [tilespmem:v21+s2+$0x0], $0xffff  }
0x2d: {  	s21 =	sor.u32 $0x6, s24;
	s18 =	simm.s32 $0x10;
	v13 =	vor.u32 s24, v7;
	v3 =	vor.u32 s28, v7;
	[tilespmem:v9+s10+$0x0] =	vst.idx.msk $0xffff, v18;
	v9 =	vor.u32 s31, v17  }
0x2e: {  	s16 =	sand.u32 $0x38, s18;
	[tilespmem:v19+s10+$0x0] =	vst.idx.msk $0xffff, v22;
	v18 =	vor.u32 s25, v7;
	v15 =	vld.idx.msk [tilespmem:v27+s2+$0x0], $0xffff;
	v21 =	vor.u32 s21, v17  }
0x2f: {  	s22 =	simm.s32 $0x6;
	s17 =	sor.u32 $0x1, s16;
	v8 =	vshll.u32 v26, $0x6;
	[tilespmem:v23+s10+$0x0] =	vst.idx.msk $0xffff, v25;
	v22 =	vor.u32 s19, v7;
	v16 =	vld.idx.msk [tilespmem:v28+s2+$0x0], $0xffff;
	v17 =	vor.u32 s29, v7  }
0x30: {  	s15 =	sor.u32 $0x2, s16;
	s20 =	sor.u32 $0x5, s16;
	v23 =	vor.u32 s16, v8;
	v19 =	vor.u32 s17, v8;
	s19 =	sor.u32 $0x7, s16;
	v20 =	vld.idx.msk [tilespmem:v30+s2+$0x0], $0xffff;
	[tilespmem:v31+s10+$0x0] =	vst.idx.msk $0xffff, v29  }
.LBB2_3:
0x31: {  	s18 =	sadd.s32 $0x8, s18;
	s23 =	sand.u32 $0x70, s22;
	v24 =	vld.idx.msk [tilespmem:v5+s2+$0x0], $0xffff;
	v5 =	vor.u32 s20, v8;
	[tilespmem:v4+s10+$0x0] =	vst.idx.msk $0xffff, v14;
	v4 =	vmov v10  }
0x32: {  	v10 =	vshll.u32 v6, $0x6;
	v26 =	vor.u32 s15, v8;
	v25 =	vld.idx.msk [tilespmem:v1+s23+$0x0 ss:$0x1], $0xffff;
	p0 =	slt.u32 s18, $0x1F8;
	v6 =	vmov s23;
	s23 =	sor.u32 $0x3, s16;
	[tilespmem:v13+s10+$0x0] =	vst.idx.msk $0xffff, v11  }
0x33: {  	s24 =	sor.u32 $0x4, s16;
	v10 =	vor.u32 v0, v10;
	v27 =	vor.u32 s23, v8;
	[tilespmem:v18+s10+$0x0] =	vst.idx.msk $0xffff, v12;
	v28 =	vld.idx.msk [tilespmem:v21+s2+$0x0], $0xffff  }
0x34: {  	v30 =	vor.u32 s21, v7;
	v29 =	vor.u32 s24, v8;
	v18 =	vor.u32 s24, v10;
	v7 =	vmovc v10;
	[tilespmem:v22+s10+$0x0] =	vst.idx.msk $0xffff, v15;
	v14 =	vld.idx.msk [tilespmem:v9+s2+$0x0], $0xffff  }
.Ltmp0:
0x35: {  	v13 =	vor.u32 s16, v7;
	v22 =	vor.u32 s20, v7;
	v11 =	vld.idx.msk [tilespmem:v23+s2+$0x0], $0xffff;
	[tilespmem:v17+s10+$0x0] =	vst.idx.msk $0xffff, v16;
	(pc) =	sbr.rel @p0 .LBB2_3-.Ltmp0, $4  }
0x36: {  	s21 =	sor.u32 $0x6, s16;
	v9 =	vor.u32 s19, v8;
	v10 =	vor.u32 s19, v7;
	v12 =	vld.idx.msk [tilespmem:v19+s2+$0x0], $0xffff;
	[tilespmem:v2+s10+$0x0] =	vst.idx.msk $0xffff, v20;
	v2 =	vmov v18  }
0x37: {  	v21 =	vor.u32 s21, v8;
	s16 =	sand.u32 $0x38, s18;
	v18 =	vor.u32 s17, v7;
	v15 =	vld.idx.msk [tilespmem:v26+s2+$0x0], $0xffff;
	[tilespmem:v3+s10+$0x0] =	vst.idx.msk $0xffff, v24;
	v3 =	vmov v22  }
0x38: {  	s20 =	sor.u32 $0x5, s16;
	v17 =	vor.u32 s23, v7;
	s17 =	sor.u32 $0x1, s16;
	v8 =	vshll.u32 v25, $0x6;
	v22 =	vor.u32 s15, v7;
	s15 =	sor.u32 $0x2, s16;
	v16 =	vld.idx.msk [tilespmem:v27+s2+$0x0], $0xffff  }
0x39: {  	s22 =	sadd.s32 $0x2, s22;
	s19 =	sor.u32 $0x7, s16;
	v23 =	vor.u32 s16, v8;
	v19 =	vor.u32 s17, v8;
	v20 =	vld.idx.msk [tilespmem:v29+s2+$0x0], $0xffff;
	[tilespmem:v30+s10+$0x0] =	vst.idx.msk $0xffff, v28  }
0x3a: {  	_ =	sdelay $0x3  }
0x3b: {  	[tilespmem:v4+s10+$0x0] =	vst.idx.msk $0xffff, v14  }
0x3c: {  	v1 =	vld.idx.msk [tilespmem:v5+s2+$0x0], $0xffff;
	v47 =	vor.u32 s15, v8;
	[tilespmem:v13+s10+$0x0] =	vst.idx.msk $0xffff, v11  }
0x3d: {  	s18 =	sor.u32 $0x3, s16;
	v48 =	vshll.u32 v6, $0x6;
	v50 =	vld.idx.msk [tilespmem:v21+s2+$0x0], $0xffff;
	v7 =	vor.u32 s21, v7;
	v52 =	vor.u32 s20, v8;
	[tilespmem:v18+s10+$0x0] =	vst.idx.msk $0xffff, v12  }
0x3e: {  	s22 =	sor.u32 $0x4, s16;
	v9 =	vld.idx.msk [tilespmem:v9+s2+$0x0], $0xffff;
	v49 =	vor.u32 s18, v8;
	v5 =	vor.u32 v0, v48;
	[tilespmem:v22+s10+$0x0] =	vst.idx.msk $0xffff, v15  }
0x3f: {  	v53 =	vld.idx.msk [tilespmem:v23+s2+$0x0], $0xffff;
	s30 =	sor.u32 $0x6, s16;
	v51 =	vor.u32 s22, v8;
	v54 =	vor.u32 s16, v5;
	[tilespmem:v17+s10+$0x0] =	vst.idx.msk $0xffff, v16  }
0x40: {  	v55 =	vld.idx.msk [tilespmem:v19+s2+$0x0], $0xffff;
	v56 =	vor.u32 s30, v8;
	[tilespmem:v2+s10+$0x0] =	vst.idx.msk $0xffff, v20;
	v2 =	vor.u32 s17, v5  }
0x41: {  	v57 =	vor.u32 s19, v8;
	v4 =	vld.idx.msk [tilespmem:v47+s2+$0x0], $0xffff;
	[tilespmem:v3+s10+$0x0] =	vst.idx.msk $0xffff, v1;
	v1 =	vor.u32 s15, v5  }
0x42: {  	v61 =	vor.u32 s20, v5;
	[tilespmem:v7+s10+$0x0] =	vst.idx.msk $0xffff, v50;
	v62 =	vld.idx.msk [tilespmem:v52+s2+$0x0], $0xffff  }
0x43: {  	v58 =	vor.u32 s18, v5;
	[tilespmem:v10+s10+$0x0] =	vst.idx.msk $0xffff, v9;
	v3 =	vld.idx.msk [tilespmem:v49+s2+$0x0], $0xffff  }
0x44: {  	v59 =	vor.u32 s22, v5;
	v60 =	vld.idx.msk [tilespmem:v51+s2+$0x0], $0xffff;
	[tilespmem:v54+s10+$0x0] =	vst.idx.msk $0xffff, v53  }
0x45: {  	v63 =	vor.u32 s30, v5;
	[tilespmem:v2+s10+$0x0] =	vst.idx.msk $0xffff, v55;
	v2 =	vld.idx.msk [tilespmem:v56+s2+$0x0], $0xffff  }
0x46: {  	v5 =	vor.u32 s19, v5;
	[tilespmem:v1+s10+$0x0] =	vst.idx.msk $0xffff, v4;
	v1 =	vld.idx.msk [tilespmem:v57+s2+$0x0], $0xffff  }
0x47: {  	[tilespmem:v61+s10+$0x0] =	vst.idx.msk $0xffff, v62  }
0x48: {  	[tilespmem:v58+s10+$0x0] =	vst.idx.msk $0xffff, v3  }
0x49: {  	s31 =	sadd.s32 s5, s14;
	s14 =	sadd.s32 $0x1, s14;
	[tilespmem:v59+s10+$0x0] =	vst.idx.msk $0xffff, v60  }
0x4a: {  	p0 =	sne.s32 s14, $0x8;
	s15 =	sshll.u32 s31, $0xD;
	[tilespmem:v63+s10+$0x0] =	vst.idx.msk $0xffff, v2  }
.Ltmp1:
0x4b: {  	s15 =	sadd.s32 s15, s6;
	[tilespmem:v5+s10+$0x0] =	vst.idx.msk $0xffff, v1;
	(pc) =	sbr.rel @p0 .LBB2_2-.Ltmp1, $4  }
0x4c: {  	[hbm4b:s15+s11] =	stream.strided.scatter [tilespmem:s10], [sflag:$0x1], $0x2000, s12, s11, $0x38;
	[tilespmem:$0x12400] =	vst v63  }
0x4d: {  	_ =	swait.ge [sflag:s8], $0x2000  }
0x4e: {  	[sflag:s8] =	ssyncset.done $0x0  }
0x4f: {  	[sflag:s8] =	ssyncadd.s32 $0xFFFFE000  }
0x50: {  	s13 =	sadd.s32 $0x1, s13  }
0x51: {  	p0 =	sne.s32 s13, s7  }
.Ltmp2:
0x52: {  	_ = 	snop;
	(pc) =	sbr.rel @p0 .LBB2_1-.Ltmp2, $1  }
0x53: {  	_ =	sdelay $0x3  }
0x54: {  	_ =	sfence.sel $0x180000  }
0x55: {  	[bflag:$0x0] =	sbarrier.arrive $0xFFFF  }
0x56: {  	p0 =	sne.s32 s1, $0x0;
	_ =	strace $0x90000047  }
0x57: {  	s0 =	sadd.s32 @!p0 $0x100000, s0;
	[bflag:$0x2] =	sbarrier.arrive $0xFFFF  }
0x58: {  	[sflag:s0] =	ssyncadd.tile.s32 @!p0 $0x1;
	_ =	shalt  }
.Lfunc_end2:
_tile_overlayer_lowered:
.L_overlay_start_2:
0x59: {  	(tag) =	ssettag $0x2  }
0x5a: {  	s0 =	rddreg [dreg:$0x0];
	s2 =	stileid.u32  }
0x5b: {  	s1 =	rddreg [dreg:$0x1];
	p0 =	sne.s32 s2, $0x0  }
0x5c: {  	s3 =	rddreg [dreg:$0x2];
	[bflag:$0x3] =	sbarrier.arrive $0xFFFF;
	s2 =	simm.s32 @!p0 $0x1C01  }
0x5d: {  	[timem:s3], [sflag:s2] =	dma.local @!p0 [hbm:s0], s1  }
0x5e: {  	s0 =	simm.s32 @!p0 $0x1  }
0x5f: {  	_ =	swait.ge @!p0 [sflag:s0], s1  }
0x60: {  	s1 =	ssub.s32 @!p0 $0x0, s1;
	[sflag:s0] =	ssyncset.done @!p0 $0x0  }
0x61: {  	[sflag:s0] =	ssyncadd.s32 @!p0 s1  }
0x62: {  	[bflag:$0x3] =	sbarrier.arrive $0xFFFF  }
0x63: {  	_ =	shalt  }

// kernel: kernel.9.cloned.1.call-start
scs
__scs_entry_jumppad:
0x0: {  	(pc) =	sbr.rel $0x88, $3  }
0x1: {  	(tag) =	ssettag $0x0;
	lr =	simm.s32 $0x1  }
0x2: {  	[smem:$0x3F9D] =	sst lr;
	_ =	strace $0xD0000000  }
0x3: {  	_ = 	snop  }
0x4: {  	_ = 	snop  }
0x5: {  	_ = 	snop  }
0x6: {  	_ = 	snop  }
0x7: {  	_ = 	snop  }
__scs_overlays_trampoline_lowered:
0x8: {  	[smem:$0x3FAC] =	sst s0  }
0x9: {  	[smem:$0x3FAD] =	sst s1  }
0xa: {  	[smem:$0x3FAE] =	sst s2  }
0xb: {  	[smem:$0x3FAF] =	sst s3  }
0xc: {  	[smem:$0x3FB0] =	sst s4  }
0xd: {  	[smem:$0x3FB1] =	sst s5  }
0xe: {  	[smem:$0x3FB2] =	sst s6  }
0xf: {  	[smem:$0x3FB3] =	sst s7  }
0x10: {  	[smem:$0x3FB4] =	sst s8  }
0x11: {  	[smem:$0x3FB5] =	sst s9;
	s0 =	simm.s32 @!p0 $0x0  }
0x12: {  	s1 =	sld [smem:$0x3F9B];
	s0 =	simm.s32 @p0 $0x1  }
0x13: {  	[smem:$0x3FB6] =	sst s0;
	s0 =	simm.s32 @!p1 $0x0  }
0x14: {  	s2 =	sld [smem:$0x3F9A];
	s0 =	simm.s32 @p1 $0x1  }
0x15: {  	[smem:$0x3FB7] =	sst s0;
	s0 =	simm.s32 @!p2 $0x0  }
0x16: {  	s3 =	sld [smem:$0x3FDB];
	s0 =	simm.s32 @p2 $0x1  }
0x17: {  	s4 =	simm.s32 $0x1BF5;
	[smem:$0x3FB9] =	sst s0  }
0x18: {  	s0 =	sld [smem:$0x3F9C];
	_ =	swait.ge [sflag:s4], $0x0  }
0x19: {  	s7 =	sld [smem:$0x3F9D]  }
0x1a: {  	s8 =	sadd.s32 $0xFFFFE003, lr  }
0x1b: {  	s9 =	sadd.s32 $0xFFFFFEF7, lr;
	s5 =	simm.s32 $0xFFFFFFFF;
	p2 =	slt.u32 s8, $0xFFFFF086  }
0x1c: {  	p1 =	slt.u32 s9, $0xF7A;
	s5 =	simm.s32 @!p2 $0x0  }
0x1d: {  	s5 =	simm.s32 @p1 $0x1;
	p0 =	seq.s32 s7, s2  }
0x1e: {  	s7 =	smul.u32 @!p0 $0xF7A, s2;
	p2 =	seq.s32 @!p0 s5, $0x0  }
0x1f: {  	s9 =	smul.u32 $0xF7A, s1;
	s8 =	simm.s32 @!p0 $0x1BF5;
	p2 =	por !p2, p0  }
0x20: {  	[sflag:s8] =	ssyncset.s32 @!p0 $0xFFFFF086;
	s6 =	sadd.s32 @!p0 s3, s7;
	s7 =	simm.s32 @!p0 $0x108  }
0x21: {  	s3 =	sadd.s32 s3, s9;
	s6 =	sadd.s32 @!p0 $0x88, s6;
	s7 =	simm.s32 @p2 $0x1082  }
0x22: {  	[simem:s7], [sflag:s8] =	dma.local @!p0 [hbm:s6], $0xF7A  }
0x23: {  	s9 =	sor.u32 $0xD0000000, s2;
	s6 =	simm.s32 $0x108;
	_ =	swait.ge @!p0 [sflag:s8], $0x0  }
0x24: {  	s3 =	sadd.s32 $0x88, s3;
	s6 =	simm.s32 @!p1 $0x1082;
	[sflag:s4] =	ssyncset.s32 $0xFFFFF086  }
0x25: {  	[simem:s6], [sflag:s4] =	dma.local [hbm:s3], $0xF7A  }
0x26: {  	[smem:$0x3F9D] =	sst s1;
	(tag) =	ssettag s2;
	_ =	strace s9  }
0x27: {  	s1 =	sld [smem:$0x3FAD]  }
0x28: {  	s2 =	sld [smem:$0x3FAE]  }
0x29: {  	s4 =	sld [smem:$0x3FB0]  }
0x2a: {  	p0 =	seq.s32 s5, $0x0;
	s5 =	sld [smem:$0x3FB1]  }
0x2b: {  	s6 =	sld [smem:$0x3FB2]  }
0x2c: {  	s7 =	sld [smem:$0x3FB3]  }
0x2d: {  	s3 =	simm.s32 $0x108;
	s8 =	sld [smem:$0x3FB4]  }
0x2e: {  	s3 =	simm.s32 @!p0 $0x1082;
	s9 =	sld [smem:$0x3FB5]  }
0x2f: {  	lr =	sadd.s32 s0, s3;
	s0 =	sld [smem:$0x3FAC]  }
0x30: {  	s3 =	sld [smem:$0x3FAF]  }
0x31: {  	[smem:$0x3FB8] =	sst s10  }
0x32: {  	s10 =	sld [smem:$0x3FB6];
	_ =	sdelay $0x3  }
0x33: {  	p0 =	seq.s32 s10, $0x1;
	s10 =	sld [smem:$0x3FB8];
	_ =	sdelay $0x3  }
0x34: {  	[smem:$0x3FB8] =	sst s10  }
0x35: {  	s10 =	sld [smem:$0x3FB7];
	_ =	sdelay $0x3  }
0x36: {  	p1 =	seq.s32 s10, $0x1;
	s10 =	sld [smem:$0x3FB8];
	_ =	sdelay $0x3  }
0x37: {  	[smem:$0x3FB8] =	sst s10  }
0x38: {  	s10 =	sld [smem:$0x3FB9]  }
0x39: {  	_ = 	snop;
	(pc) =	sbr.ind lr, $3  }
0x3a: {  	_ = 	snop  }
0x3b: {  	_ = 	snop  }
0x3c: {  	p2 =	seq.s32 s10, $0x1;
	s10 =	sld [smem:$0x3FB8]  }
0x3d: {  	_ =	shalt  }
0x3e: {  	_ =	shalt  }
0x3f: {  	_ =	shalt  }
0x40: {  	_ =	shalt  }
0x41: {  	_ =	shalt  }
0x42: {  	_ =	shalt  }
0x43: {  	_ =	shalt  }
0x44: {  	_ =	shalt  }
0x45: {  	_ =	shalt  }
0x46: {  	_ =	shalt  }
0x47: {  	_ =	shalt  }
0x48: {  	_ =	shalt  }
0x49: {  	_ =	shalt  }
0x4a: {  	_ =	shalt  }
0x4b: {  	_ =	shalt  }
0x4c: {  	_ =	shalt  }
0x4d: {  	_ =	shalt  }
0x4e: {  	_ =	shalt  }
0x4f: {  	_ =	shalt  }
0x50: {  	_ =	shalt  }
0x51: {  	_ =	shalt  }
0x52: {  	_ =	shalt  }
0x53: {  	_ =	shalt  }
0x54: {  	_ =	shalt  }
0x55: {  	_ =	shalt  }
0x56: {  	_ =	shalt  }
0x57: {  	_ =	shalt  }
0x58: {  	_ =	shalt  }
0x59: {  	_ =	shalt  }
0x5a: {  	_ =	shalt  }
0x5b: {  	_ =	shalt  }
0x5c: {  	_ =	shalt  }
0x5d: {  	_ =	shalt  }
0x5e: {  	_ =	shalt  }
0x5f: {  	_ =	shalt  }
0x60: {  	_ =	shalt  }
0x61: {  	_ =	shalt  }
0x62: {  	_ =	shalt  }
0x63: {  	_ =	shalt  }
0x64: {  	_ =	shalt  }
0x65: {  	_ =	shalt  }
0x66: {  	_ =	shalt  }
0x67: {  	_ =	shalt  }
0x68: {  	_ =	shalt  }
0x69: {  	_ =	shalt  }
0x6a: {  	_ =	shalt  }
0x6b: {  	_ =	shalt  }
0x6c: {  	_ =	shalt  }
0x6d: {  	_ =	shalt  }
0x6e: {  	_ =	shalt  }
0x6f: {  	_ =	shalt  }
0x70: {  	_ =	shalt  }
0x71: {  	_ =	shalt  }
0x72: {  	_ =	shalt  }
0x73: {  	_ =	shalt  }
0x74: {  	_ =	shalt  }
0x75: {  	_ =	shalt  }
0x76: {  	_ =	shalt  }
0x77: {  	_ =	shalt  }
0x78: {  	_ =	shalt  }
0x79: {  	_ =	shalt  }
0x7a: {  	_ =	shalt  }
0x7b: {  	_ =	shalt  }
0x7c: {  	_ =	shalt  }
0x7d: {  	_ =	shalt  }
0x7e: {  	_ =	shalt  }
0x7f: {  	_ =	shalt  }
0x80: {  	_ =	shalt  }
0x81: {  	_ =	shalt  }
0x82: {  	_ =	shalt  }
0x83: {  	_ =	shalt  }
0x84: {  	_ =	shalt  }
0x85: {  	_ =	shalt  }
0x86: {  	_ =	shalt  }
0x87: {  	_ =	shalt  }
.Lfunc_end0:
.L_simem_size_0:
called_computation.1_lowered:
.L_overlay_start_0:
0x88: {  	s2 =	sld [smem:$0x3FD9]  }
0x89: {  	s3 =	sld [smem:$0x3FFE];
	_ =	sdelay $0x1  }
0x8a: {  	s1 =	srdreg.scid  }
0x8b: {  	s0 =	sand.u32 $0x1, s1  }
0x8c: {  	s15 =	sshll.u32 s0, $0xA;
	s2 =	sadd.s32 s3, s2  }
0x8d: {  	s2 =	sadd.s32 s2, s15  }
0x8e: {  	[smem:$0x3FC4] =	sst s2  }
0x8f: {  	_ = 	snop  }
0x90: {  	s2 =	sld [smem:$0x3FD0];
	_ =	sdelay $0x2  }
0x91: {  	s16 =	simm.s32 $0xB;
	s4 =	simm.s32 $0x10  }
0x92: {  	[smem:s4], [sflag:s16] =	dma.local [hbm:s2], $0x1  }
0x93: {  	_ =	swait.eq [sflag:s16], $0x1  }
0x94: {  	[sflag:s16] =	ssyncset.done $0x0  }
0x95: {  	[sflag:s16] =	ssyncadd.s32 $0xFFFFFFFF  }
0x96: {  	s17 =	sld [smem:$0x10];
	(tm) =	ssettm $0x1  }
0x97: {  	s18 =	sld [smem:$0x3FFB];
	_ =	sdelay $0x3  }
0x98: {  	_ =	strace s18  }
0x99: {  	s2 =	sld [smem:$0x3FFC];
	_ =	sdelay $0x3  }
0x9a: {  	_ =	strace s2  }
0x9b: {  	s2 =	sld [smem:$0x3FFD];
	_ =	sdelay $0x3  }
0x9c: {  	_ =	strace s2  }
0x9d: {  	_ =	strace $0x8FFFFFFF  }
0x9e: {  	s19 =	sld [smem:$0x3FDB];
	_ =	sdelay $0x1  }
0x9f: {  	s20 =	simm.s32 $_scs_section_size  }
0xa0: {  	s5 =	simm.s32 $_size__tile_overlayer_lowered;
	s6 =	simm.s32 $_tile_overlayer_lowered  }
0xa1: {  	s7 =	simm.s32 $0x1BFF;
	s21 =	sshll.u32 s6, $0x1;
	s4 =	sadd.s32 s20, s19  }
0xa2: {  	s22 =	simm.s32 $0x0;
	s5 =	sshll.u32 s5, $0x1;
	s6 =	sadd.s32 s21, s4  }
0xa3: {  	[timem:s22], [sflag:s7] =	dma.local [hbm:s6], s5  }
0xa4: {  	_ =	swait.ge [sflag:s7], s5  }
0xa5: {  	s5 =	ssub.s32 $0x0, s5;
	[sflag:s7] =	ssyncset.done $0x0  }
0xa6: {  	[sflag:s7] =	ssyncadd.s32 s5;
	_ =	sdelay $0x1  }
0xa7: {  	s23 =	simm.s32 $0x1B8B  }
0xa8: {  	_ =	swait.ge [sflag:s23], $0x1  }
0xa9: {  	[sflag:s23] =	ssyncset.done $0x0  }
0xaa: {  	[sflag:s23] =	ssyncadd.s32 $0xFFFFFFFF  }
0xab: {  	s5 =	sld [smem:$0x0]  }
0xac: {  	s6 =	sand.u32 $0xFFFFFFFE, s1  }
0xad: {  	p0 =	sne.s32 s1, s6  }
0xae: {  	s6 =	sshll.u32 @p0 s6, $0xE  }
0xaf: {  	s6 =	sadd.s32 @p0 $0x11B8D, s6;
	s7 =	sshll.u32 @p0 s5, $0x11  }
0xb0: {  	s6 =	sor.u32 @p0 s7, s6  }
0xb1: {  	[sflag:s6] =	ssyncadd.remote.s32 @p0 $0x1;
	_ =	sdelay $0x1  }
0xb2: {  	s6 =	simm.s32 @p0 $0x1B8D  }
0xb3: {  	_ =	swait.eq @p0 [sflag:s6], $0x1  }
0xb4: {  	[sflag:s6] =	ssyncadd.s32 @p0 $0xFFFFFFFF  }
0xb5: {  	s7 =	sshll.u32 @!p0 s1, $0xE  }
0xb6: {  	s7 =	sor.u32 @!p0 $0x4000, s7;
	s6 =	simm.s32 @!p0 $0x1B8D  }
0xb7: {  	s5 =	sshll.u32 @!p0 s5, $0x11;
	s7 =	sadd.s32 @!p0 $0x11B8D, s7;
	_ =	swait.eq @!p0 [sflag:s6], $0x1  }
0xb8: {  	s5 =	sor.u32 @!p0 s5, s7;
	[sflag:s6] =	ssyncadd.s32 @!p0 $0xFFFFFFFF  }
0xb9: {  	s25 =	simm.s32 $0x1B8E;
	s24 =	sld [smem:$0x3FFE];
	[sflag:s5] =	ssyncadd.remote.s32 @!p0 $0x1  }
0xba: {  	s26 =	simm.s32 $execute0_lowered;
	[smem:$0x3FD2] =	sst s25  }
0xbb: {  	s6 =	sshll.u32 s26, $0x1;
	_ =	strace $0x80000049;
	[dreg:$0x1] =	wrdreg $0xFFFFFFFF  }
0xbc: {  	s28 =	simm.s32 $_size_execute0_lowered;
	s4 =	sadd.s32 s4, s6;
	[dreg:$0x0] =	wrdreg $0x0  }
0xbd: {  	s6 =	sshll.u32 s28, $0x1;
	[dreg:$0x2] =	wrdreg s4  }
0xbe: {  	[dreg:$0x3] =	wrdreg s6  }
0xbf: {  	[dreg:$0x4] =	wrdreg $0xC0  }
0xc0: {  	_ =	task [dreg:s22], $0x5FFFF  }
0xc1: {  	[dreg:$0x1] =	wrdreg $0xFFFFFFFF  }
0xc2: {  	[dreg:$0x0] =	wrdreg $0x60  }
0xc3: {  	[dreg:$0x2] =	wrdreg s24  }
0xc4: {  	[dreg:$0x3] =	wrdreg s17  }
0xc5: {  	[dreg:$0x4] =	wrdreg $0xA  }
0xc6: {  	_ =	task.clear_ibuf [dreg:s22], $0x5FFFF;
	_ =	strace $0x90000049  }
0xc7: {  	s29 =	simm.s32 $0xA;
	_ =	strace $0x8000004B  }
0xc8: {  	_ =	swait.ge [sflag:s29], $0x1  }
0xc9: {  	[sflag:s29] =	ssyncadd.s32 $0xFFFFFFFF  }
0xca: {  	_ =	strace $0x9000004B  }
0xcb: {  	_ =	sfence  }
0xcc: {  	s30 =	sld [smem:$0x0];
	_ =	sdelay $0x2  }
0xcd: {  	s31 =	sshll.u32 s1, $0xD;
	s1 =	sshrl.u32 s1, $0x2  }
0xce: {  	s4 =	sand.u32 $0x4000, s31;
	s1 =	sadd.s32 s1, s30  }
0xcf: {  	s0 =	sor.u32 s4, s0;
	s1 =	sshll.u32 s1, $0x11  }
0xd0: {  	s0 =	sor.u32 s1, s0  }
0xd1: {  	s0 =	sadd.s32 $0x8F2B, s0  }
0xd2: {  	[sflag:s0] =	ssyncadd.remote.s32 $0x1  }
0xd3: {  	_ =	sfence.sel $0xFFFF  }
0xd4: {  	[dreg:$0x0] =	wrdreg $0xFFFFFFFF;
	(pc) =	sbr.abs _section_cstart, $3  }
0xd5: {  	[dreg:$0x1] =	wrdreg $0xFFFFFFFF  }
0xd6: {  	_ =	task.clear_ibuf [dreg:s22], $0x2FFFF;
	_ =	strace $0x9FFFFFFF  }
0xd7: {  	(tm) =	ssettm $0x7FFFFFFF  }
tec
execute0_lowered:
.L_overlay_start_1:
0x0: {  	(tag) =	ssettag $0x1  }
0x1: {  	s4 =	rddreg [dreg:$0x0]  }
0x2: {  	s6 =	rddreg [dreg:$0x1]  }
0x3: {  	s0 =	rddreg [dreg:$0x2]  }
0x4: {  	s3 =	srdreg.scid;
	s2 =	simm.s32 $0x0;
	s1 =	stileid.u32  }
0x5: {  	s10 =	simm.s32 $0x10400;
	s11 =	simm.s32 $0x40;
	s12 =	simm.s32 $0x200  }
0x6: {  	s13 =	simm.s32 $0x0;
	s5 =	sand.u32 $0x1, s3;
	[smem:$0x7FF] =	sst s2  }
0x7: {  	s30 =	sshll.u32 s1, $0x4;
	s3 =	sadd.s32 $0x2400, s4;
	s9 =	sshll.u32 s1, $0x2  }
0x8: {  	s7 =	sshll.u32 s5, $0x3;
	_ =	strace $0x8000004A;
	s5 =	ssub.s32 $0x2, s5  }
0x9: {  	s9 =	sand.u32 $0x38, s9;
	s7 =	sor.u32 s7, s30;
	s31 =	sshrl.u32 s5, $0x1  }
0xa: {  	s6 =	sadd.s32 s6, s9;
	s9 =	simm.s32 $0x10000;
	s8 =	sshll.u32 s7, $0x4  }
0xb: {  	v0 =	vlaneseq.u32;
	s4 =	sadd.s32 s8, s4;
	s8 =	ssub.s32 s5, s31;
	s5 =	sand.u32 $0x18, s7  }
0xc: {  	v0 =	vmul.u32 $0x40, v0;
	s4 =	sadd.s32 $0x5400, s4;
	s7 =	smax.u32 s8, $0x1;
	s8 =	simm.s32 $0x1  }
.LBB2_1:
0xd: {  	[tilespmem:s2], [sflag:$0x1] =	stream.linear.gather [hbm4b:s3+s2], $0x10000, $0x38;
	[tilespmem:$0x12400] =	vst v63  }
0xe: {  	_ =	swait.ge [sflag:s8], $0x10000  }
0xf: {  	[sflag:s8] =	ssyncset.done $0x0  }
0x10: {  	[sflag:s8] =	ssyncadd.s32 $0xFFFF0000  }
0x11: {  	[tilespmem:s9], [sflag:$0x1] =	stream.linear.gather [hbm4b:s4+s2], $0x400, $0x38;
	[tilespmem:$0x12400] =	vst v63  }
0x12: {  	_ =	swait.ge [sflag:s8], $0x400  }
0x13: {  	[sflag:s8] =	ssyncset.done $0x0  }
0x14: {  	s14 =	simm.s32 $0x0;
	[sflag:s8] =	ssyncadd.s32 $0xFFFFFC00  }
.LBB2_2:
0x15: {  	s15 =	sshll.u32 s14, $0x7  }
0x16: {  	s15 =	sand.u32 $0x3FFFFF80, s15  }
0x17: {  	s15 =	sadd.s32 $0x10000, s15  }
0x18: {  	v1 =	vmov s15;
	_ =	sdelay $0x2  }
0x19: {  	s29 =	simm.s32 $0x0  }
0x1a: {  	s15 =	sand.u32 $0x70, s29  }
0x1b: {  	v2 =	vld.idx.msk [tilespmem:v1+s15+$0x0 ss:$0x1], $0xffff;
	_ =	sdelay $0x3  }
0x1c: {  	s16 =	simm.s32 $0x0  }
0x1d: {  	s16 =	sand.u32 $0x38, s16;
	v2 =	vshll.u32 v2, $0x6  }
0x1e: {  	s19 =	simm.s32 $0x2;
	s17 =	sor.u32 $0x1, s16;
	v8 =	vmov s15;
	v3 =	vor.u32 s16, v2  }
0x1f: {  	s19 =	sand.u32 $0x70, s19;
	s18 =	sor.u32 $0x2, s16;
	v8 =	vshll.u32 v8, $0x6;
	v4 =	vor.u32 s17, v2  }
0x20: {  	s26 =	simm.s32 $0x4;
	s20 =	sor.u32 $0x3, s16;
	v8 =	vor.u32 v0, v8;
	v6 =	vld.idx.msk [tilespmem:v1+s19+$0x0 ss:$0x1], $0xffff;
	v5 =	vor.u32 s18, v2  }
0x21: {  	s21 =	sor.u32 $0x4, s16;
	v20 =	vor.u32 s18, v8;
	v7 =	vor.u32 s20, v2;
	s18 =	sand.u32 $0x70, s26  }
0x22: {  	s30 =	sor.u32 $0x5, s16;
	v9 =	vor.u32 s21, v2;
	v26 =	vld.idx.msk [tilespmem:v1+s18+$0x0 ss:$0x1], $0xffff  }
0x23: {  	s31 =	simm.s32 $0x8;
	s22 =	sor.u32 $0x6, s16;
	v10 =	vor.u32 s30, v2;
	v3 =	vld.idx.msk [tilespmem:v3+s2+$0x0], $0xffff  }
0x24: {  	s24 =	sand.u32 $0x38, s31;
	s23 =	sor.u32 $0x7, s16;
	v14 =	vor.u32 s22, v2;
	v11 =	vld.idx.msk [tilespmem:v4+s2+$0x0], $0xffff  }
0x25: {  	s25 =	sor.u32 $0x1, s24;
	v13 =	vor.u32 s16, v8;
	v17 =	vshll.u32 v6, $0x6;
	v2 =	vor.u32 s23, v2;
	v15 =	vld.idx.msk [tilespmem:v5+s2+$0x0], $0xffff  }
0x26: {  	v16 =	vor.u32 s17, v8;
	v24 =	vor.u32 s25, v17;
	v18 =	vld.idx.msk [tilespmem:v7+s2+$0x0], $0xffff  }
0x27: {  	v12 =	vmov s19;
	v21 =	vor.u32 s24, v17;
	v22 =	vld.idx.msk [tilespmem:v9+s2+$0x0], $0xffff  }
0x28: {  	s29 =	sor.u32 $0x3, s24;
	v19 =	vor.u32 s21, v8;
	v23 =	vor.u32 s30, v8;
	s19 =	sor.u32 $0x2, s24;
	v9 =	vor.u32 s20, v8;
	v25 =	vld.idx.msk [tilespmem:v10+s2+$0x0], $0xffff  }
0x29: {  	v31 =	vor.u32 s22, v8;
	v27 =	vor.u32 s19, v17;
	v28 =	vor.u32 s29, v17;
	s30 =	sor.u32 $0x4, s24;
	v29 =	vld.idx.msk [tilespmem:v14+s2+$0x0], $0xffff  }
0x2a: {  	s28 =	sor.u32 $0x5, s24;
	v6 =	vmov s18;
	v30 =	vor.u32 s30, v17;
	v7 =	vshll.u32 v12, $0x6;
	v14 =	vld.idx.msk [tilespmem:v2+s2+$0x0], $0xffff;
	[tilespmem:v13+s10+$0x0] =	vst.idx.msk $0xffff, v3  }
0x2b: {  	s31 =	sor.u32 $0x7, s24;
	v4 =	vor.u32 s23, v8;
	v5 =	vor.u32 s28, v17;
	v12 =	vld.idx.msk [tilespmem:v24+s2+$0x0], $0xffff;
	v7 =	vor.u32 v0, v7;
	[tilespmem:v16+s10+$0x0] =	vst.idx.msk $0xffff, v11  }
0x2c: {  	v2 =	vor.u32 s30, v7;
	v10 =	vor.u32 s31, v7;
	[tilespmem:v20+s10+$0x0] =	vst.idx.msk $0xffff, v15;
	v11 =	vld.idx.msk [tilespmem:v21+s2+$0x0], $0xffff  }
0x2d: {  	s21 =	sor.u32 $0x6, s24;
	s18 =	simm.s32 $0x10;
	v13 =	vor.u32 s24, v7;
	v3 =	vor.u32 s28, v7;
	[tilespmem:v9+s10+$0x0] =	vst.idx.msk $0xffff, v18;
	v9 =	vor.u32 s31, v17  }
0x2e: {  	s16 =	sand.u32 $0x38, s18;
	[tilespmem:v19+s10+$0x0] =	vst.idx.msk $0xffff, v22;
	v18 =	vor.u32 s25, v7;
	v15 =	vld.idx.msk [tilespmem:v27+s2+$0x0], $0xffff;
	v21 =	vor.u32 s21, v17  }
0x2f: {  	s22 =	simm.s32 $0x6;
	s17 =	sor.u32 $0x1, s16;
	v8 =	vshll.u32 v26, $0x6;
	[tilespmem:v23+s10+$0x0] =	vst.idx.msk $0xffff, v25;
	v22 =	vor.u32 s19, v7;
	v16 =	vld.idx.msk [tilespmem:v28+s2+$0x0], $0xffff;
	v17 =	vor.u32 s29, v7  }
0x30: {  	s15 =	sor.u32 $0x2, s16;
	s20 =	sor.u32 $0x5, s16;
	v23 =	vor.u32 s16, v8;
	v19 =	vor.u32 s17, v8;
	s19 =	sor.u32 $0x7, s16;
	v20 =	vld.idx.msk [tilespmem:v30+s2+$0x0], $0xffff;
	[tilespmem:v31+s10+$0x0] =	vst.idx.msk $0xffff, v29  }
.LBB2_3:
0x31: {  	s18 =	sadd.s32 $0x8, s18;
	s23 =	sand.u32 $0x70, s22;
	v24 =	vld.idx.msk [tilespmem:v5+s2+$0x0], $0xffff;
	v5 =	vor.u32 s20, v8;
	[tilespmem:v4+s10+$0x0] =	vst.idx.msk $0xffff, v14;
	v4 =	vmov v10  }
0x32: {  	v10 =	vshll.u32 v6, $0x6;
	v26 =	vor.u32 s15, v8;
	v25 =	vld.idx.msk [tilespmem:v1+s23+$0x0 ss:$0x1], $0xffff;
	p0 =	slt.u32 s18, $0x1F8;
	v6 =	vmov s23;
	s23 =	sor.u32 $0x3, s16;
	[tilespmem:v13+s10+$0x0] =	vst.idx.msk $0xffff, v11  }
0x33: {  	s24 =	sor.u32 $0x4, s16;
	v10 =	vor.u32 v0, v10;
	v27 =	vor.u32 s23, v8;
	[tilespmem:v18+s10+$0x0] =	vst.idx.msk $0xffff, v12;
	v28 =	vld.idx.msk [tilespmem:v21+s2+$0x0], $0xffff  }
0x34: {  	v30 =	vor.u32 s21, v7;
	v29 =	vor.u32 s24, v8;
	v18 =	vor.u32 s24, v10;
	v7 =	vmovc v10;
	[tilespmem:v22+s10+$0x0] =	vst.idx.msk $0xffff, v15;
	v14 =	vld.idx.msk [tilespmem:v9+s2+$0x0], $0xffff  }
.Ltmp0:
0x35: {  	v13 =	vor.u32 s16, v7;
	v22 =	vor.u32 s20, v7;
	v11 =	vld.idx.msk [tilespmem:v23+s2+$0x0], $0xffff;
	[tilespmem:v17+s10+$0x0] =	vst.idx.msk $0xffff, v16;
	(pc) =	sbr.rel @p0 .LBB2_3-.Ltmp0, $4  }
0x36: {  	s21 =	sor.u32 $0x6, s16;
	v9 =	vor.u32 s19, v8;
	v10 =	vor.u32 s19, v7;
	v12 =	vld.idx.msk [tilespmem:v19+s2+$0x0], $0xffff;
	[tilespmem:v2+s10+$0x0] =	vst.idx.msk $0xffff, v20;
	v2 =	vmov v18  }
0x37: {  	v21 =	vor.u32 s21, v8;
	s16 =	sand.u32 $0x38, s18;
	v18 =	vor.u32 s17, v7;
	v15 =	vld.idx.msk [tilespmem:v26+s2+$0x0], $0xffff;
	[tilespmem:v3+s10+$0x0] =	vst.idx.msk $0xffff, v24;
	v3 =	vmov v22  }
0x38: {  	s20 =	sor.u32 $0x5, s16;
	v17 =	vor.u32 s23, v7;
	s17 =	sor.u32 $0x1, s16;
	v8 =	vshll.u32 v25, $0x6;
	v22 =	vor.u32 s15, v7;
	s15 =	sor.u32 $0x2, s16;
	v16 =	vld.idx.msk [tilespmem:v27+s2+$0x0], $0xffff  }
0x39: {  	s22 =	sadd.s32 $0x2, s22;
	s19 =	sor.u32 $0x7, s16;
	v23 =	vor.u32 s16, v8;
	v19 =	vor.u32 s17, v8;
	v20 =	vld.idx.msk [tilespmem:v29+s2+$0x0], $0xffff;
	[tilespmem:v30+s10+$0x0] =	vst.idx.msk $0xffff, v28  }
0x3a: {  	_ =	sdelay $0x3  }
0x3b: {  	[tilespmem:v4+s10+$0x0] =	vst.idx.msk $0xffff, v14  }
0x3c: {  	v1 =	vld.idx.msk [tilespmem:v5+s2+$0x0], $0xffff;
	v47 =	vor.u32 s15, v8;
	[tilespmem:v13+s10+$0x0] =	vst.idx.msk $0xffff, v11  }
0x3d: {  	s18 =	sor.u32 $0x3, s16;
	v48 =	vshll.u32 v6, $0x6;
	v50 =	vld.idx.msk [tilespmem:v21+s2+$0x0], $0xffff;
	v7 =	vor.u32 s21, v7;
	v52 =	vor.u32 s20, v8;
	[tilespmem:v18+s10+$0x0] =	vst.idx.msk $0xffff, v12  }
0x3e: {  	s22 =	sor.u32 $0x4, s16;
	v9 =	vld.idx.msk [tilespmem:v9+s2+$0x0], $0xffff;
	v49 =	vor.u32 s18, v8;
	v5 =	vor.u32 v0, v48;
	[tilespmem:v22+s10+$0x0] =	vst.idx.msk $0xffff, v15  }
0x3f: {  	v53 =	vld.idx.msk [tilespmem:v23+s2+$0x0], $0xffff;
	s30 =	sor.u32 $0x6, s16;
	v51 =	vor.u32 s22, v8;
	v54 =	vor.u32 s16, v5;
	[tilespmem:v17+s10+$0x0] =	vst.idx.msk $0xffff, v16  }
0x40: {  	v55 =	vld.idx.msk [tilespmem:v19+s2+$0x0], $0xffff;
	v56 =	vor.u32 s30, v8;
	[tilespmem:v2+s10+$0x0] =	vst.idx.msk $0xffff, v20;
	v2 =	vor.u32 s17, v5  }
0x41: {  	v57 =	vor.u32 s19, v8;
	v4 =	vld.idx.msk [tilespmem:v47+s2+$0x0], $0xffff;
	[tilespmem:v3+s10+$0x0] =	vst.idx.msk $0xffff, v1;
	v1 =	vor.u32 s15, v5  }
0x42: {  	v61 =	vor.u32 s20, v5;
	[tilespmem:v7+s10+$0x0] =	vst.idx.msk $0xffff, v50;
	v62 =	vld.idx.msk [tilespmem:v52+s2+$0x0], $0xffff  }
0x43: {  	v58 =	vor.u32 s18, v5;
	[tilespmem:v10+s10+$0x0] =	vst.idx.msk $0xffff, v9;
	v3 =	vld.idx.msk [tilespmem:v49+s2+$0x0], $0xffff  }
0x44: {  	v59 =	vor.u32 s22, v5;
	v60 =	vld.idx.msk [tilespmem:v51+s2+$0x0], $0xffff;
	[tilespmem:v54+s10+$0x0] =	vst.idx.msk $0xffff, v53  }
0x45: {  	v63 =	vor.u32 s30, v5;
	[tilespmem:v2+s10+$0x0] =	vst.idx.msk $0xffff, v55;
	v2 =	vld.idx.msk [tilespmem:v56+s2+$0x0], $0xffff  }
0x46: {  	v5 =	vor.u32 s19, v5;
	[tilespmem:v1+s10+$0x0] =	vst.idx.msk $0xffff, v4;
	v1 =	vld.idx.msk [tilespmem:v57+s2+$0x0], $0xffff  }
0x47: {  	[tilespmem:v61+s10+$0x0] =	vst.idx.msk $0xffff, v62  }
0x48: {  	[tilespmem:v58+s10+$0x0] =	vst.idx.msk $0xffff, v3  }
0x49: {  	s31 =	sadd.s32 s5, s14;
	s14 =	sadd.s32 $0x1, s14;
	[tilespmem:v59+s10+$0x0] =	vst.idx.msk $0xffff, v60  }
0x4a: {  	p0 =	sne.s32 s14, $0x8;
	s15 =	sshll.u32 s31, $0xD;
	[tilespmem:v63+s10+$0x0] =	vst.idx.msk $0xffff, v2  }
.Ltmp1:
0x4b: {  	s15 =	sadd.s32 s15, s6;
	[tilespmem:v5+s10+$0x0] =	vst.idx.msk $0xffff, v1;
	(pc) =	sbr.rel @p0 .LBB2_2-.Ltmp1, $4  }
0x4c: {  	[hbm4b:s15+s11] =	stream.strided.scatter [tilespmem:s10], [sflag:$0x1], $0x2000, s12, s11, $0x38;
	[tilespmem:$0x12400] =	vst v63  }
0x4d: {  	_ =	swait.ge [sflag:s8], $0x2000  }
0x4e: {  	[sflag:s8] =	ssyncset.done $0x0  }
0x4f: {  	[sflag:s8] =	ssyncadd.s32 $0xFFFFE000  }
0x50: {  	s13 =	sadd.s32 $0x1, s13  }
0x51: {  	p0 =	sne.s32 s13, s7  }
.Ltmp2:
0x52: {  	_ = 	snop;
	(pc) =	sbr.rel @p0 .LBB2_1-.Ltmp2, $1  }
0x53: {  	_ =	sdelay $0x3  }
0x54: {  	_ =	sfence.sel $0x180000  }
0x55: {  	[bflag:$0x0] =	sbarrier.arrive $0xFFFF  }
0x56: {  	p0 =	sne.s32 s1, $0x0;
	_ =	strace $0x9000004A  }
0x57: {  	s0 =	sadd.s32 @!p0 $0x100000, s0;
	[bflag:$0x2] =	sbarrier.arrive $0xFFFF  }
0x58: {  	[sflag:s0] =	ssyncadd.tile.s32 @!p0 $0x1;
	_ =	shalt  }
.Lfunc_end2:
_tile_overlayer_lowered:
.L_overlay_start_2:
0x59: {  	(tag) =	ssettag $0x2  }
0x5a: {  	s0 =	rddreg [dreg:$0x0];
	s2 =	stileid.u32  }
0x5b: {  	s1 =	rddreg [dreg:$0x1];
	p0 =	sne.s32 s2, $0x0  }
0x5c: {  	s3 =	rddreg [dreg:$0x2];
	[bflag:$0x3] =	sbarrier.arrive $0xFFFF;
	s2 =	simm.s32 @!p0 $0x1C01  }
0x5d: {  	[timem:s3], [sflag:s2] =	dma.local @!p0 [hbm:s0], s1  }
0x5e: {  	s0 =	simm.s32 @!p0 $0x1  }
0x5f: {  	_ =	swait.ge @!p0 [sflag:s0], s1  }
0x60: {  	s1 =	ssub.s32 @!p0 $0x0, s1;
	[sflag:s0] =	ssyncset.done @!p0 $0x0  }
0x61: {  	[sflag:s0] =	ssyncadd.s32 @!p0 s1  }
0x62: {  	[bflag:$0x3] =	sbarrier.arrive $0xFFFF  }
0x63: {  	_ =	shalt  }

</sc_bundles>
